<compile_context>
chip_gen: v7x
topology: tpu7x:2x2x1
jax: 0.10.2.dev20260603
libtpu: 0.0.44.dev20260713+nightly
codegen_flags: <defaults>
</compile_context>

<pallas_src>
import functools

import jax
import jax.numpy as jnp
from jax import lax
from jax.experimental import pallas as pl
from jax.experimental.pallas import tpu as pltpu
from jax.experimental.pallas import tpu_sc as plsc

N = 10000
E = 320000
D = 128
NG = 64

NC, NS = 2, 16
NW = NC * NS
CH = 128
CHUNKS = 80
E_PAD = NW * CH * CHUNKS
ACC = 10240
ZR = ACC // NS
GPAD = 10016
RB = 1000

_mesh = plsc.VectorSubcoreMesh(core_axis_name="c", subcore_axis_name="s")


@functools.partial(
    pl.kernel,
    out_type=jax.ShapeDtypeStruct((NC, ACC, D), jnp.float32),
    mesh=_mesh,
    scratch_types=[
        pltpu.VMEM((CH,), jnp.int32),
        pltpu.VMEM((CH, D), jnp.float32),
        pltpu.VMEM_SHARED((ACC, D), jnp.float32),
    ],
)
def _deg_kernel(dst_hbm, ones_hbm, zeros_hbm, out_hbm, idx_d, rows, acc):
    c = lax.axis_index("c")
    s = lax.axis_index("s")
    w = s * NC + c
    pltpu.sync_copy(ones_hbm, rows)
    pltpu.sync_copy(zeros_hbm, acc.at[pl.ds(s * ZR, ZR)])
    plsc.subcore_barrier()

    @pl.loop(0, CHUNKS)
    def _chunk(j):
        pltpu.sync_copy(dst_hbm.at[pl.ds((w * CHUNKS + j) * CH, CH)], idx_d)
        pltpu.sync_copy(rows, acc.at[idx_d], add=True)

    plsc.subcore_barrier()
    pltpu.sync_copy(acc.at[pl.ds(s * ZR, ZR)], out_hbm.at[c, pl.ds(s * ZR, ZR)])


@functools.partial(
    pl.kernel,
    out_type=jax.ShapeDtypeStruct((NC, ACC, D), jnp.float32),
    mesh=_mesh,
    scratch_types=[
        pltpu.VMEM((CH,), jnp.int32),
        pltpu.VMEM((CH,), jnp.int32),
        pltpu.VMEM((CH,), jnp.int32),
        pltpu.VMEM((CH,), jnp.int32),
        pltpu.VMEM((CH, D), jnp.float32),
        pltpu.VMEM((CH, D), jnp.float32),
        pltpu.VMEM_SHARED((ACC, D), jnp.float32),
        pltpu.SemaphoreType.DMA,
        pltpu.SemaphoreType.DMA,
    ],
)
def _agg_kernel(g_hbm, src_hbm, dst_hbm, zeros_hbm, out_hbm,
                is0, id0, is1, id1, buf0, buf1, acc, sem0, sem1):
    c = lax.axis_index("c")
    s = lax.axis_index("s")
    w = s * NC + c
    base = w * CHUNKS * CH
    pltpu.sync_copy(zeros_hbm, acc.at[pl.ds(s * ZR, ZR)])
    plsc.subcore_barrier()

    pltpu.sync_copy(src_hbm.at[pl.ds(base, CH)], is0)
    pltpu.sync_copy(dst_hbm.at[pl.ds(base, CH)], id0)
    pltpu.async_copy(g_hbm.at[is0], buf0, sem0)

    @pl.loop(0, CHUNKS, step=2)
    def _chunk(j):
        b1 = base + (j + 1) * CH
        pltpu.sync_copy(src_hbm.at[pl.ds(b1, CH)], is1)
        pltpu.sync_copy(dst_hbm.at[pl.ds(b1, CH)], id1)
        d1 = pltpu.async_copy(g_hbm.at[is1], buf1, sem1)
        pltpu.make_async_copy(g_hbm.at[is0], buf0, sem0).wait()
        pltpu.sync_copy(buf0, acc.at[id0], add=True)

        @pl.when(j + 2 < CHUNKS)
        def _next():
            b2 = base + (j + 2) * CH
            pltpu.sync_copy(src_hbm.at[pl.ds(b2, CH)], is0)
            pltpu.sync_copy(dst_hbm.at[pl.ds(b2, CH)], id0)
            pltpu.async_copy(g_hbm.at[is0], buf0, sem0)

        d1.wait()
        pltpu.sync_copy(buf1, acc.at[id1], add=True)

    plsc.subcore_barrier()
    pltpu.sync_copy(acc.at[pl.ds(s * ZR, ZR)], out_hbm.at[c, pl.ds(s * ZR, ZR)])


def _prep_body(x_ref, w_ref, d0_ref, d1_ref, dinv_ref, g_ref):
    deg = d0_ref[...] + d1_ref[...] + 1.0
    dinv = lax.rsqrt(deg)
    dinv_ref[...] = dinv
    g_ref[...] = dinv * jnp.dot(x_ref[...], w_ref[...],
                                preferred_element_type=jnp.float32)


def _mid_body(p0_ref, p1_ref, g_ref, dinv_ref, b_ref, w_ref, gout_ref):
    dinv = dinv_ref[...]
    h = jnp.maximum(
        dinv * (p0_ref[...] + p1_ref[...] + g_ref[...]) + b_ref[...], 0.0)
    gout_ref[...] = dinv * jnp.dot(h, w_ref[...],
                                   preferred_element_type=jnp.float32)


def _final_body(p0_ref, p1_ref, g_ref, dinv_ref, b_ref, batch_ref,
                wfc_ref, bfc_ref, out_ref, sums, counts):
    i = pl.program_id(0)

    @pl.when(i == 0)
    def _init():
        sums[...] = jnp.zeros_like(sums)
        counts[...] = jnp.zeros_like(counts)

    h = jnp.maximum(
        dinv_ref[...] * (p0_ref[...] + p1_ref[...] + g_ref[...])
        + b_ref[...], 0.0)
    bb = batch_ref[0, 0, :]
    gid = lax.broadcasted_iota(jnp.int32, (NG, RB), 0)
    onehot = jnp.where(bb[None, :] == gid, 1.0, 0.0)
    sums[...] += jnp.dot(onehot, h, preferred_element_type=jnp.float32)
    counts[...] += jnp.dot(onehot, jnp.ones((RB, D), jnp.float32),
                           preferred_element_type=jnp.float32)

    @pl.when(i == pl.num_programs(0) - 1)
    def _emit():
        pooled = sums[...] / jnp.maximum(counts[...], 1.0)
        out_ref[...] = jnp.dot(pooled, wfc_ref[...],
                               preferred_element_type=jnp.float32) + bfc_ref[...]


_row = pl.BlockSpec((RB, D), lambda i: (i, 0))
_full = pl.BlockSpec((D, D), lambda i: (0, 0))
_bias = pl.BlockSpec((1, D), lambda i: (0, 0))

_prep = pl.pallas_call(
    _prep_body,
    grid=(N // RB,),
    in_specs=[_row, _full, _row, _row],
    out_specs=[_row, _row],
    out_shape=[jax.ShapeDtypeStruct((N, D), jnp.float32),
               jax.ShapeDtypeStruct((N, D), jnp.float32)],
)

_mid = pl.pallas_call(
    _mid_body,
    grid=(N // RB,),
    in_specs=[_row, _row, _row, _row, _bias, _full],
    out_specs=_row,
    out_shape=jax.ShapeDtypeStruct((N, D), jnp.float32),
)

_final = pl.pallas_call(
    _final_body,
    grid=(N // RB,),
    in_specs=[_row, _row, _row, _row, _bias,
              pl.BlockSpec((1, 1, RB), lambda i: (i, 0, 0)),
              _full, _bias],
    out_specs=pl.BlockSpec((NG, D), lambda i: (0, 0)),
    out_shape=jax.ShapeDtypeStruct((NG, D), jnp.float32),
    scratch_shapes=[pltpu.VMEM((NG, D), jnp.float32),
                    pltpu.VMEM((NG, D), jnp.float32)],
)


def _pad_rows(g):
    return jnp.pad(g, ((0, GPAD - N), (0, 0)))


def kernel(x, edge_index, edge_attr, batch, W1, b1, W2, b2, W3, b3, Wfc, bfc):
    del edge_attr
    src = edge_index[0].astype(jnp.int32)
    dst = edge_index[1].astype(jnp.int32)
    tail = jnp.full((E_PAD - E,), N, jnp.int32)
    src_p = jnp.concatenate([src, tail])
    dst_p = jnp.concatenate([dst, tail])

    ones_rows = jnp.ones((CH, D), jnp.float32)
    zeros_rows = jnp.zeros((ZR, D), jnp.float32)

    dpart = _deg_kernel(dst_p, ones_rows, zeros_rows)
    dinvb, g = _prep(x, W1, dpart[0], dpart[1])

    for W_next, b_prev in ((W2, b1), (W3, b2)):
        p = _agg_kernel(_pad_rows(g), src_p, dst_p, zeros_rows)
        g = _mid(p[0], p[1], g, dinvb, b_prev.reshape(1, D), W_next)

    p = _agg_kernel(_pad_rows(g), src_p, dst_p, zeros_rows)
    wfc_p = jnp.pad(Wfc, ((0, 0), (0, D - Wfc.shape[1])))
    bfc_p = jnp.pad(bfc, (0, D - bfc.shape[0])).reshape(1, D)
    batch3 = batch.astype(jnp.int32).reshape(N // RB, 1, RB)
    out = _final(p[0], p[1], g, dinvb, b3.reshape(1, D), batch3, wfc_p, bfc_p)
    return out[:, :bfc.shape[0]]

# --- scband reference (transcript-rebuilt; emitter-appended) ---
"""Pipeline reference for scband-gnn-26439818674484 (READ-ONLY COPY).

The authoritative reference and input builder live on the scoring server;
editing this copy changes nothing except your own understanding.
"""

import jax, jax.numpy as jnp
import numpy as np

N = 10000
E = 320000
D_FEAT = 128
D_EDGE = 4
HIDDEN = 128
OUT = 10
N_GRAPHS = 64


def setup_inputs(seed: int = 0) -> dict:
    key = jax.random.key(seed)
    ks = jax.random.split(key, 12)
    x = jax.random.normal(ks[0], (N, D_FEAT), dtype=jnp.float32)
    edge_index = jax.random.randint(ks[1], (2, E), 0, N)
    edge_attr = jax.random.normal(ks[2], (E, D_EDGE), dtype=jnp.float32)
    batch = jnp.sort(jax.random.randint(ks[3], (N,), 0, N_GRAPHS))
    s1 = 1.0 / np.sqrt(D_FEAT)
    s2 = 1.0 / np.sqrt(HIDDEN)
    W1 = jax.random.normal(ks[4], (D_FEAT, HIDDEN), dtype=jnp.float32) * s1
    b1 = jnp.zeros((HIDDEN,), dtype=jnp.float32)
    W2 = jax.random.normal(ks[5], (HIDDEN, HIDDEN), dtype=jnp.float32) * s2
    b2 = jnp.zeros((HIDDEN,), dtype=jnp.float32)
    W3 = jax.random.normal(ks[6], (HIDDEN, HIDDEN), dtype=jnp.float32) * s2
    b3 = jnp.zeros((HIDDEN,), dtype=jnp.float32)
    Wfc = jax.random.normal(ks[7], (HIDDEN, OUT), dtype=jnp.float32) * s2
    bfc = jnp.zeros((OUT,), dtype=jnp.float32)
    return {"x": x, "edge_index": edge_index, "edge_attr": edge_attr, "batch": batch,
            "W1": W1, "b1": b1, "W2": W2, "b2": b2, "W3": W3, "b3": b3,
            "Wfc": Wfc, "bfc": bfc}


def gcn_conv(x, W, b, src, dst, num_nodes):
    # x' = D^{-1/2} (A + I) D^{-1/2} X W + b  (PyG GCNConv semantics)
    h = x @ W
    loop = jnp.arange(num_nodes, dtype=src.dtype)
    src2 = jnp.concatenate([src, loop])
    dst2 = jnp.concatenate([dst, loop])
    ones = jnp.ones(src2.shape[0], dtype=h.dtype)
    deg = jax.ops.segment_sum(ones, dst2, num_segments=num_nodes)
    dinv = jnp.where(deg > 0, deg ** -0.5, 0.0)
    norm = dinv[src2] * dinv[dst2]
    msg = h[src2] * norm[:, None]
    out = jax.ops.segment_sum(msg, dst2, num_segments=num_nodes)
    return out + b


def reference(x, edge_index, edge_attr, batch, W1, b1, W2, b2, W3, b3, Wfc, bfc):
    src, dst = edge_index[0], edge_index[1]
    n = x.shape[0]
    h = jax.nn.relu(gcn_conv(x, W1, b1, src, dst, n))
    h = jax.nn.relu(gcn_conv(h, W2, b2, src, dst, n))
    h = jax.nn.relu(gcn_conv(h, W3, b3, src, dst, n))
    sums = jax.ops.segment_sum(h, batch, num_segments=N_GRAPHS)
    counts = jax.ops.segment_sum(jnp.ones((n, 1), dtype=h.dtype), batch, num_segments=N_GRAPHS)
    pooled = sums / jnp.maximum(counts, 1.0)
    return pooled @ Wfc + bfc

if __name__ == "__main__":
    import jax
    _d = setup_inputs()
    print(jax.jit(kernel)(*tuple(_d.values())))

</pallas_src>

<mosaic_0001>
#map = affine_map<(d0, d1) -> (0, 0)>
#map1 = affine_map<(d0, d1) -> (0)>
#map2 = affine_map<(d0, d1) -> (0, 0, 0)>
module attributes {stable_mosaic.version = 14 : i64} {
  func.func @_agg_kernel(%arg0: i32, %arg1: i32, %arg2: memref<10016x128xf32, #tpu.memory_space<hbm>>, %arg3: memref<327680xi32, #tpu.memory_space<hbm>>, %arg4: memref<327680xi32, #tpu.memory_space<hbm>>, %arg5: memref<640x128xf32, #tpu.memory_space<hbm>>, %arg6: memref<2x10240x128xf32, #tpu.memory_space<hbm>>, %arg7: memref<128xi32, #tpu.memory_space<vmem>>, %arg8: memref<128xi32, #tpu.memory_space<vmem>>, %arg9: memref<128xi32, #tpu.memory_space<vmem>>, %arg10: memref<128xi32, #tpu.memory_space<vmem>>, %arg11: memref<128x128xf32, #tpu.memory_space<vmem>>, %arg12: memref<128x128xf32, #tpu.memory_space<vmem>>, %arg13: memref<10240x128xf32, #tpu.memory_space<vmem_shared>>, %arg14: memref<!tpu.dma_semaphore, #tpu.memory_space<semaphore_mem>>, %arg15: memref<!tpu.dma_semaphore, #tpu.memory_space<semaphore_mem>>) attributes {dimension_semantics = [#tpu.dimension_semantics<core_parallel>, #tpu.dimension_semantics<subcore_parallel>], iteration_bounds = array<i64: 2, 16>, scalar_prefetch = 0 : i64, scratch_operands = 9 : i64, tpu.core_type = #tpu.core_type<sc_vector_subcore>, window_params = [{transform_indices = #map}, {transform_indices = #map1}, {transform_indices = #map1}, {transform_indices = #map}, {transform_indices = #map2}]} {
    %mul3A = arith.constant 2 : i32
    %mul3A_0 = arith.muli %arg1, %mul3A : i32
    %add3A = arith.addi %mul3A_0, %arg0 : i32
    %mul3A_1 = arith.constant 80 : i32
    %mul3A_2 = arith.muli %add3A, %mul3A_1 : i32
    %mul3A_3 = arith.constant 128 : i32
    %mul3A_4 = arith.muli %mul3A_2, %mul3A_3 : i32
    %mul3A_5 = arith.constant 640 : i32
    %mul3A_6 = arith.muli %arg1, %mul3A_5 : i32
    "tpu.region"() ({
      %run_scoped3A = tpu.sem_alloc : memref<!tpu.dma_semaphore, #tpu.memory_space<semaphore_mem>>
      %dma_start3A_18 = arith.constant 0 : i32
      %dma_start3A_19 = tpu.memref_slice %arg13[%mul3A_6, %dma_start3A_18] : memref<10240x128xf32, #tpu.memory_space<vmem_shared>> -> memref<640x128xf32, #tpu.memory_space<vmem_shared>>
      tpu.enqueue_dma source(%arg5 : memref<640x128xf32, #tpu.memory_space<hbm>>) target(%dma_start3A_19 : memref<640x128xf32, #tpu.memory_space<vmem_shared>>) target_semaphore(%run_scoped3A : memref<!tpu.dma_semaphore, #tpu.memory_space<semaphore_mem>>)
      %dma_wait3A = arith.constant 0 : i32
      %dma_wait3A_20 = tpu.memref_slice %arg13[%mul3A_6, %dma_wait3A] : memref<10240x128xf32, #tpu.memory_space<vmem_shared>> -> memref<640x128xf32, #tpu.memory_space<vmem_shared>>
      tpu.wait_dma2 semaphore(%run_scoped3A : memref<!tpu.dma_semaphore, #tpu.memory_space<semaphore_mem>>) src(%arg5 : memref<640x128xf32, #tpu.memory_space<hbm>>) dst(%dma_wait3A_20 : memref<640x128xf32, #tpu.memory_space<vmem_shared>>)
      tpu.yield
    }) : () -> ()
    %barrier3A = arith.constant 0 : index
    tpu.barrier barrier_id(%barrier3A)
    "tpu.region"() ({
      %run_scoped3A = tpu.sem_alloc : memref<!tpu.dma_semaphore, #tpu.memory_space<semaphore_mem>>
      %dma_start3A_18 = tpu.memref_slice %arg3[%mul3A_4] : memref<327680xi32, #tpu.memory_space<hbm>> -> memref<128xi32, #tpu.memory_space<hbm>>
      %dma_start3A_19 = tpu.memref_slice %arg3[%mul3A_4] : memref<327680xi32, #tpu.memory_space<hbm>> -> memref<128xi32, #tpu.memory_space<hbm>>
      tpu.enqueue_dma source(%dma_start3A_19 : memref<128xi32, #tpu.memory_space<hbm>>) target(%arg7 : memref<128xi32, #tpu.memory_space<vmem>>) target_semaphore(%run_scoped3A : memref<!tpu.dma_semaphore, #tpu.memory_space<semaphore_mem>>)
      %dma_wait3A = tpu.memref_slice %arg3[%mul3A_4] : memref<327680xi32, #tpu.memory_space<hbm>> -> memref<128xi32, #tpu.memory_space<hbm>>
      %dma_wait3A_20 = tpu.memref_slice %arg3[%mul3A_4] : memref<327680xi32, #tpu.memory_space<hbm>> -> memref<128xi32, #tpu.memory_space<hbm>>
      tpu.wait_dma2 semaphore(%run_scoped3A : memref<!tpu.dma_semaphore, #tpu.memory_space<semaphore_mem>>) src(%dma_wait3A_20 : memref<128xi32, #tpu.memory_space<hbm>>) dst(%arg7 : memref<128xi32, #tpu.memory_space<vmem>>)
      tpu.yield
    }) : () -> ()
    "tpu.region"() ({
      %run_scoped3A = tpu.sem_alloc : memref<!tpu.dma_semaphore, #tpu.memory_space<semaphore_mem>>
      %dma_start3A_18 = tpu.memref_slice %arg4[%mul3A_4] : memref<327680xi32, #tpu.memory_space<hbm>> -> memref<128xi32, #tpu.memory_space<hbm>>
      %dma_start3A_19 = tpu.memref_slice %arg4[%mul3A_4] : memref<327680xi32, #tpu.memory_space<hbm>> -> memref<128xi32, #tpu.memory_space<hbm>>
      tpu.enqueue_dma source(%dma_start3A_19 : memref<128xi32, #tpu.memory_space<hbm>>) target(%arg8 : memref<128xi32, #tpu.memory_space<vmem>>) target_semaphore(%run_scoped3A : memref<!tpu.dma_semaphore, #tpu.memory_space<semaphore_mem>>)
      %dma_wait3A = tpu.memref_slice %arg4[%mul3A_4] : memref<327680xi32, #tpu.memory_space<hbm>> -> memref<128xi32, #tpu.memory_space<hbm>>
      %dma_wait3A_20 = tpu.memref_slice %arg4[%mul3A_4] : memref<327680xi32, #tpu.memory_space<hbm>> -> memref<128xi32, #tpu.memory_space<hbm>>
      tpu.wait_dma2 semaphore(%run_scoped3A : memref<!tpu.dma_semaphore, #tpu.memory_space<semaphore_mem>>) src(%dma_wait3A_20 : memref<128xi32, #tpu.memory_space<hbm>>) dst(%arg8 : memref<128xi32, #tpu.memory_space<vmem>>)
      tpu.yield
    }) : () -> ()
    %dma_start3A = arith.constant 0 : i32
    %dma_start3A_7 = arith.constant 0 : i32
    %dma_start3A_8 = tpu.memref_slice %arg2[%dma_start3A, %dma_start3A_7] : memref<10016x128xf32, #tpu.memory_space<hbm>> -> memref<10016x128xf32, #tpu.memory_space<hbm>>
    tpu.enqueue_indirect_dma source(%dma_start3A_8 : memref<10016x128xf32, #tpu.memory_space<hbm>>) target(%arg11 : memref<128x128xf32, #tpu.memory_space<vmem>>) offsets(%arg7 : memref<128xi32, #tpu.memory_space<vmem>>) semaphore(%arg14 : memref<!tpu.dma_semaphore, #tpu.memory_space<semaphore_mem>>)
    %scan3A = arith.constant 0 : i32
    %scan3A_9 = arith.constant 40 : i32
    %scan3A_10 = arith.addi %scan3A, %scan3A_9 : i32
    %scan3A_11 = arith.constant 1 : i32
    scf.for %scan3A_18 = %scan3A to %scan3A_10 step %scan3A_11  : i32 {
      %mul3A_19 = arith.constant 2 : i32
      %mul3A_20 = arith.muli %scan3A_18, %mul3A_19 : i32
      %add3A_21 = arith.constant 0 : i32
      %add3A_22 = arith.addi %add3A_21, %mul3A_20 : i32
      %add3A_23 = arith.constant 1 : i32
      %add3A_24 = arith.addi %add3A_22, %add3A_23 : i32
      %mul3A_25 = arith.constant 128 : i32
      %mul3A_26 = arith.muli %add3A_24, %mul3A_25 : i32
      %add3A_27 = arith.addi %mul3A_4, %mul3A_26 : i32
      "tpu.region"() ({
        %run_scoped3A = tpu.sem_alloc : memref<!tpu.dma_semaphore, #tpu.memory_space<semaphore_mem>>
        %dma_start3A_40 = tpu.memref_slice %arg3[%add3A_27] : memref<327680xi32, #tpu.memory_space<hbm>> -> memref<128xi32, #tpu.memory_space<hbm>>
        %dma_start3A_41 = tpu.memref_slice %arg3[%add3A_27] : memref<327680xi32, #tpu.memory_space<hbm>> -> memref<128xi32, #tpu.memory_space<hbm>>
        tpu.enqueue_dma source(%dma_start3A_41 : memref<128xi32, #tpu.memory_space<hbm>>) target(%arg9 : memref<128xi32, #tpu.memory_space<vmem>>) target_semaphore(%run_scoped3A : memref<!tpu.dma_semaphore, #tpu.memory_space<semaphore_mem>>)
        %dma_wait3A_42 = tpu.memref_slice %arg3[%add3A_27] : memref<327680xi32, #tpu.memory_space<hbm>> -> memref<128xi32, #tpu.memory_space<hbm>>
        %dma_wait3A_43 = tpu.memref_slice %arg3[%add3A_27] : memref<327680xi32, #tpu.memory_space<hbm>> -> memref<128xi32, #tpu.memory_space<hbm>>
        tpu.wait_dma2 semaphore(%run_scoped3A : memref<!tpu.dma_semaphore, #tpu.memory_space<semaphore_mem>>) src(%dma_wait3A_43 : memref<128xi32, #tpu.memory_space<hbm>>) dst(%arg9 : memref<128xi32, #tpu.memory_space<vmem>>)
        tpu.yield
      }) : () -> ()
      "tpu.region"() ({
        %run_scoped3A = tpu.sem_alloc : memref<!tpu.dma_semaphore, #tpu.memory_space<semaphore_mem>>
        %dma_start3A_40 = tpu.memref_slice %arg4[%add3A_27] : memref<327680xi32, #tpu.memory_space<hbm>> -> memref<128xi32, #tpu.memory_space<hbm>>
        %dma_start3A_41 = tpu.memref_slice %arg4[%add3A_27] : memref<327680xi32, #tpu.memory_space<hbm>> -> memref<128xi32, #tpu.memory_space<hbm>>
        tpu.enqueue_dma source(%dma_start3A_41 : memref<128xi32, #tpu.memory_space<hbm>>) target(%arg10 : memref<128xi32, #tpu.memory_space<vmem>>) target_semaphore(%run_scoped3A : memref<!tpu.dma_semaphore, #tpu.memory_space<semaphore_mem>>)
        %dma_wait3A_42 = tpu.memref_slice %arg4[%add3A_27] : memref<327680xi32, #tpu.memory_space<hbm>> -> memref<128xi32, #tpu.memory_space<hbm>>
        %dma_wait3A_43 = tpu.memref_slice %arg4[%add3A_27] : memref<327680xi32, #tpu.memory_space<hbm>> -> memref<128xi32, #tpu.memory_space<hbm>>
        tpu.wait_dma2 semaphore(%run_scoped3A : memref<!tpu.dma_semaphore, #tpu.memory_space<semaphore_mem>>) src(%dma_wait3A_43 : memref<128xi32, #tpu.memory_space<hbm>>) dst(%arg10 : memref<128xi32, #tpu.memory_space<vmem>>)
        tpu.yield
      }) : () -> ()
      %dma_start3A_28 = arith.constant 0 : i32
      %dma_start3A_29 = arith.constant 0 : i32
      %dma_start3A_30 = tpu.memref_slice %arg2[%dma_start3A_28, %dma_start3A_29] : memref<10016x128xf32, #tpu.memory_space<hbm>> -> memref<10016x128xf32, #tpu.memory_space<hbm>>
      tpu.enqueue_indirect_dma source(%dma_start3A_30 : memref<10016x128xf32, #tpu.memory_space<hbm>>) target(%arg12 : memref<128x128xf32, #tpu.memory_space<vmem>>) offsets(%arg9 : memref<128xi32, #tpu.memory_space<vmem>>) semaphore(%arg15 : memref<!tpu.dma_semaphore, #tpu.memory_space<semaphore_mem>>)
      %dma_wait3A = arith.constant 0 : i32
      %dma_wait3A_31 = arith.constant 0 : i32
      %dma_wait3A_32 = tpu.memref_slice %arg2[%dma_wait3A, %dma_wait3A_31] : memref<10016x128xf32, #tpu.memory_space<hbm>> -> memref<10016x128xf32, #tpu.memory_space<hbm>>
      tpu.wait_indirect_dma semaphore(%arg14 : memref<!tpu.dma_semaphore, #tpu.memory_space<semaphore_mem>>) src(%dma_wait3A_32 : memref<10016x128xf32, #tpu.memory_space<hbm>>) dst(%arg11 : memref<128x128xf32, #tpu.memory_space<vmem>>)
      "tpu.region"() ({
        %run_scoped3A = tpu.sem_alloc : memref<!tpu.dma_semaphore, #tpu.memory_space<semaphore_mem>>
        %dma_start3A_40 = arith.constant 0 : i32
        %dma_start3A_41 = arith.constant 0 : i32
        %dma_start3A_42 = tpu.memref_slice %arg13[%dma_start3A_40, %dma_start3A_41] : memref<10240x128xf32, #tpu.memory_space<vmem_shared>> -> memref<10240x128xf32, #tpu.memory_space<vmem_shared>>
        tpu.enqueue_indirect_dma source(%arg11 : memref<128x128xf32, #tpu.memory_space<vmem>>) target(%dma_start3A_42 : memref<10240x128xf32, #tpu.memory_space<vmem_shared>>) offsets(%arg8 : memref<128xi32, #tpu.memory_space<vmem>>) semaphore(%run_scoped3A : memref<!tpu.dma_semaphore, #tpu.memory_space<semaphore_mem>>) {add = true}
        %dma_wait3A_43 = arith.constant 0 : i32
        %dma_wait3A_44 = arith.constant 0 : i32
        %dma_wait3A_45 = tpu.memref_slice %arg13[%dma_wait3A_43, %dma_wait3A_44] : memref<10240x128xf32, #tpu.memory_space<vmem_shared>> -> memref<10240x128xf32, #tpu.memory_space<vmem_shared>>
        tpu.wait_indirect_dma semaphore(%run_scoped3A : memref<!tpu.dma_semaphore, #tpu.memory_space<semaphore_mem>>) src(%arg11 : memref<128x128xf32, #tpu.memory_space<vmem>>) dst(%dma_wait3A_45 : memref<10240x128xf32, #tpu.memory_space<vmem_shared>>)
        tpu.yield
      }) : () -> ()
      %add3A_33 = arith.constant 2 : i32
      %add3A_34 = arith.addi %add3A_22, %add3A_33 : i32
      %lt3A = arith.constant 80 : i32
      %lt3A_35 = arith.cmpi slt, %add3A_34, %lt3A : i32
      %convert_element_type3A = arith.extui %lt3A_35 : i1 to i32
      %cond3A = arith.constant 0 : i32
      %cond3A_36 = arith.cmpi ne, %convert_element_type3A, %cond3A : i32
      scf.if %cond3A_36 {
        %add3A_40 = arith.constant 2 : i32
        %add3A_41 = arith.addi %add3A_22, %add3A_40 : i32
        %mul3A_42 = arith.constant 128 : i32
        %mul3A_43 = arith.muli %add3A_41, %mul3A_42 : i32
        %add3A_44 = arith.addi %mul3A_4, %mul3A_43 : i32
        "tpu.region"() ({
          %run_scoped3A = tpu.sem_alloc : memref<!tpu.dma_semaphore, #tpu.memory_space<semaphore_mem>>
          %dma_start3A_48 = tpu.memref_slice %arg3[%add3A_44] : memref<327680xi32, #tpu.memory_space<hbm>> -> memref<128xi32, #tpu.memory_space<hbm>>
          %dma_start3A_49 = tpu.memref_slice %arg3[%add3A_44] : memref<327680xi32, #tpu.memory_space<hbm>> -> memref<128xi32, #tpu.memory_space<hbm>>
          tpu.enqueue_dma source(%dma_start3A_49 : memref<128xi32, #tpu.memory_space<hbm>>) target(%arg7 : memref<128xi32, #tpu.memory_space<vmem>>) target_semaphore(%run_scoped3A : memref<!tpu.dma_semaphore, #tpu.memory_space<semaphore_mem>>)
          %dma_wait3A_50 = tpu.memref_slice %arg3[%add3A_44] : memref<327680xi32, #tpu.memory_space<hbm>> -> memref<128xi32, #tpu.memory_space<hbm>>
          %dma_wait3A_51 = tpu.memref_slice %arg3[%add3A_44] : memref<327680xi32, #tpu.memory_space<hbm>> -> memref<128xi32, #tpu.memory_space<hbm>>
          tpu.wait_dma2 semaphore(%run_scoped3A : memref<!tpu.dma_semaphore, #tpu.memory_space<semaphore_mem>>) src(%dma_wait3A_51 : memref<128xi32, #tpu.memory_space<hbm>>) dst(%arg7 : memref<128xi32, #tpu.memory_space<vmem>>)
          tpu.yield
        }) : () -> ()
        "tpu.region"() ({
          %run_scoped3A = tpu.sem_alloc : memref<!tpu.dma_semaphore, #tpu.memory_space<semaphore_mem>>
          %dma_start3A_48 = tpu.memref_slice %arg4[%add3A_44] : memref<327680xi32, #tpu.memory_space<hbm>> -> memref<128xi32, #tpu.memory_space<hbm>>
          %dma_start3A_49 = tpu.memref_slice %arg4[%add3A_44] : memref<327680xi32, #tpu.memory_space<hbm>> -> memref<128xi32, #tpu.memory_space<hbm>>
          tpu.enqueue_dma source(%dma_start3A_49 : memref<128xi32, #tpu.memory_space<hbm>>) target(%arg8 : memref<128xi32, #tpu.memory_space<vmem>>) target_semaphore(%run_scoped3A : memref<!tpu.dma_semaphore, #tpu.memory_space<semaphore_mem>>)
          %dma_wait3A_50 = tpu.memref_slice %arg4[%add3A_44] : memref<327680xi32, #tpu.memory_space<hbm>> -> memref<128xi32, #tpu.memory_space<hbm>>
          %dma_wait3A_51 = tpu.memref_slice %arg4[%add3A_44] : memref<327680xi32, #tpu.memory_space<hbm>> -> memref<128xi32, #tpu.memory_space<hbm>>
          tpu.wait_dma2 semaphore(%run_scoped3A : memref<!tpu.dma_semaphore, #tpu.memory_space<semaphore_mem>>) src(%dma_wait3A_51 : memref<128xi32, #tpu.memory_space<hbm>>) dst(%arg8 : memref<128xi32, #tpu.memory_space<vmem>>)
          tpu.yield
        }) : () -> ()
        %dma_start3A_45 = arith.constant 0 : i32
        %dma_start3A_46 = arith.constant 0 : i32
        %dma_start3A_47 = tpu.memref_slice %arg2[%dma_start3A_45, %dma_start3A_46] : memref<10016x128xf32, #tpu.memory_space<hbm>> -> memref<10016x128xf32, #tpu.memory_space<hbm>>
        tpu.enqueue_indirect_dma source(%dma_start3A_47 : memref<10016x128xf32, #tpu.memory_space<hbm>>) target(%arg11 : memref<128x128xf32, #tpu.memory_space<vmem>>) offsets(%arg7 : memref<128xi32, #tpu.memory_space<vmem>>) semaphore(%arg14 : memref<!tpu.dma_semaphore, #tpu.memory_space<semaphore_mem>>)
      } else {
      }
      %dma_wait3A_37 = arith.constant 0 : i32
      %dma_wait3A_38 = arith.constant 0 : i32
      %dma_wait3A_39 = tpu.memref_slice %arg2[%dma_wait3A_37, %dma_wait3A_38] : memref<10016x128xf32, #tpu.memory_space<hbm>> -> memref<10016x128xf32, #tpu.memory_space<hbm>>
      tpu.wait_indirect_dma semaphore(%arg15 : memref<!tpu.dma_semaphore, #tpu.memory_space<semaphore_mem>>) src(%dma_wait3A_39 : memref<10016x128xf32, #tpu.memory_space<hbm>>) dst(%arg12 : memref<128x128xf32, #tpu.memory_space<vmem>>)
      "tpu.region"() ({
        %run_scoped3A = tpu.sem_alloc : memref<!tpu.dma_semaphore, #tpu.memory_space<semaphore_mem>>
        %dma_start3A_40 = arith.constant 0 : i32
        %dma_start3A_41 = arith.constant 0 : i32
        %dma_start3A_42 = tpu.memref_slice %arg13[%dma_start3A_40, %dma_start3A_41] : memref<10240x128xf32, #tpu.memory_space<vmem_shared>> -> memref<10240x128xf32, #tpu.memory_space<vmem_shared>>
        tpu.enqueue_indirect_dma source(%arg12 : memref<128x128xf32, #tpu.memory_space<vmem>>) target(%dma_start3A_42 : memref<10240x128xf32, #tpu.memory_space<vmem_shared>>) offsets(%arg10 : memref<128xi32, #tpu.memory_space<vmem>>) semaphore(%run_scoped3A : memref<!tpu.dma_semaphore, #tpu.memory_space<semaphore_mem>>) {add = true}
        %dma_wait3A_43 = arith.constant 0 : i32
        %dma_wait3A_44 = arith.constant 0 : i32
        %dma_wait3A_45 = tpu.memref_slice %arg13[%dma_wait3A_43, %dma_wait3A_44] : memref<10240x128xf32, #tpu.memory_space<vmem_shared>> -> memref<10240x128xf32, #tpu.memory_space<vmem_shared>>
        tpu.wait_indirect_dma semaphore(%run_scoped3A : memref<!tpu.dma_semaphore, #tpu.memory_space<semaphore_mem>>) src(%arg12 : memref<128x128xf32, #tpu.memory_space<vmem>>) dst(%dma_wait3A_45 : memref<10240x128xf32, #tpu.memory_space<vmem_shared>>)
        tpu.yield
      }) : () -> ()
    }
    %scan3A_12 = arith.constant 40 : i32
    %barrier3A_13 = arith.constant 0 : index
    tpu.barrier barrier_id(%barrier3A_13)
    %mul3A_14 = arith.constant 640 : i32
    %mul3A_15 = arith.muli %arg1, %mul3A_14 : i32
    %mul3A_16 = arith.constant 640 : i32
    %mul3A_17 = arith.muli %arg1, %mul3A_16 : i32
    "tpu.region"() ({
      %run_scoped3A = tpu.sem_alloc : memref<!tpu.dma_semaphore, #tpu.memory_space<semaphore_mem>>
      %dma_start3A_18 = arith.constant 0 : i32
      %dma_start3A_19 = tpu.memref_slice %arg6[%arg0, %mul3A_17, %dma_start3A_18] : memref<2x10240x128xf32, #tpu.memory_space<hbm>> -> memref<1x640x128xf32, #tpu.memory_space<hbm>>
      %dma_start3A_20 = tpu.memref_squeeze %dma_start3A_19 : memref<1x640x128xf32, #tpu.memory_space<hbm>> -> memref<640x128xf32, #tpu.memory_space<hbm>>
      %dma_start3A_21 = arith.constant 0 : i32
      %dma_start3A_22 = tpu.memref_slice %arg13[%mul3A_15, %dma_start3A_21] : memref<10240x128xf32, #tpu.memory_space<vmem_shared>> -> memref<640x128xf32, #tpu.memory_space<vmem_shared>>
      tpu.enqueue_dma source(%dma_start3A_22 : memref<640x128xf32, #tpu.memory_space<vmem_shared>>) target(%dma_start3A_20 : memref<640x128xf32, #tpu.memory_space<hbm>>) target_semaphore(%run_scoped3A : memref<!tpu.dma_semaphore, #tpu.memory_space<semaphore_mem>>)
      %dma_wait3A = arith.constant 0 : i32
      %dma_wait3A_23 = tpu.memref_slice %arg6[%arg0, %mul3A_17, %dma_wait3A] : memref<2x10240x128xf32, #tpu.memory_space<hbm>> -> memref<1x640x128xf32, #tpu.memory_space<hbm>>
      %dma_wait3A_24 = tpu.memref_squeeze %dma_wait3A_23 : memref<1x640x128xf32, #tpu.memory_space<hbm>> -> memref<640x128xf32, #tpu.memory_space<hbm>>
      %dma_wait3A_25 = arith.constant 0 : i32
      %dma_wait3A_26 = tpu.memref_slice %arg13[%mul3A_15, %dma_wait3A_25] : memref<10240x128xf32, #tpu.memory_space<vmem_shared>> -> memref<640x128xf32, #tpu.memory_space<vmem_shared>>
      tpu.wait_dma2 semaphore(%run_scoped3A : memref<!tpu.dma_semaphore, #tpu.memory_space<semaphore_mem>>) src(%dma_wait3A_26 : memref<640x128xf32, #tpu.memory_space<vmem_shared>>) dst(%dma_wait3A_24 : memref<640x128xf32, #tpu.memory_space<hbm>>)
      tpu.yield
    }) : () -> ()
    return
  }
}

#map = affine_map<(d0, d1) -> (0, 0)>
#map1 = affine_map<(d0, d1) -> (0)>
#map2 = affine_map<(d0, d1) -> (0, 0, 0)>
module attributes {stable_mosaic.version = 14 : i64} {
  func.func @_agg_kernel(%arg0: i32, %arg1: i32, %arg2: memref<10016x128xf32, #tpu.memory_space<hbm>>, %arg3: memref<327680xi32, #tpu.memory_space<hbm>>, %arg4: memref<327680xi32, #tpu.memory_space<hbm>>, %arg5: memref<640x128xf32, #tpu.memory_space<hbm>>, %arg6: memref<2x10240x128xf32, #tpu.memory_space<hbm>>, %arg7: memref<128xi32, #tpu.memory_space<vmem>>, %arg8: memref<128xi32, #tpu.memory_space<vmem>>, %arg9: memref<128xi32, #tpu.memory_space<vmem>>, %arg10: memref<128xi32, #tpu.memory_space<vmem>>, %arg11: memref<128x128xf32, #tpu.memory_space<vmem>>, %arg12: memref<128x128xf32, #tpu.memory_space<vmem>>, %arg13: memref<10240x128xf32, #tpu.memory_space<vmem_shared>>, %arg14: memref<!tpu.dma_semaphore, #tpu.memory_space<semaphore_mem>>, %arg15: memref<!tpu.dma_semaphore, #tpu.memory_space<semaphore_mem>>) attributes {dimension_semantics = [#tpu.dimension_semantics<core_parallel>, #tpu.dimension_semantics<subcore_parallel>], iteration_bounds = array<i64: 2, 16>, scalar_prefetch = 0 : i64, scratch_operands = 9 : i64, tpu.core_type = #tpu.core_type<sc_vector_subcore>, window_params = [{transform_indices = #map}, {transform_indices = #map1}, {transform_indices = #map1}, {transform_indices = #map}, {transform_indices = #map2}]} {
    %mul3A = arith.constant 2 : i32
    %mul3A_0 = arith.muli %arg1, %mul3A : i32
    %add3A = arith.addi %mul3A_0, %arg0 : i32
    %mul3A_1 = arith.constant 80 : i32
    %mul3A_2 = arith.muli %add3A, %mul3A_1 : i32
    %mul3A_3 = arith.constant 128 : i32
    %mul3A_4 = arith.muli %mul3A_2, %mul3A_3 : i32
    %mul3A_5 = arith.constant 640 : i32
    %mul3A_6 = arith.muli %arg1, %mul3A_5 : i32
    "tpu.region"() ({
      %run_scoped3A = tpu.sem_alloc : memref<!tpu.dma_semaphore, #tpu.memory_space<semaphore_mem>>
      %dma_start3A_18 = arith.constant 0 : i32
      %dma_start3A_19 = tpu.memref_slice %arg13[%mul3A_6, %dma_start3A_18] : memref<10240x128xf32, #tpu.memory_space<vmem_shared>> -> memref<640x128xf32, #tpu.memory_space<vmem_shared>>
      tpu.enqueue_dma source(%arg5 : memref<640x128xf32, #tpu.memory_space<hbm>>) target(%dma_start3A_19 : memref<640x128xf32, #tpu.memory_space<vmem_shared>>) target_semaphore(%run_scoped3A : memref<!tpu.dma_semaphore, #tpu.memory_space<semaphore_mem>>)
      %dma_wait3A = arith.constant 0 : i32
      %dma_wait3A_20 = tpu.memref_slice %arg13[%mul3A_6, %dma_wait3A] : memref<10240x128xf32, #tpu.memory_space<vmem_shared>> -> memref<640x128xf32, #tpu.memory_space<vmem_shared>>
      tpu.wait_dma2 semaphore(%run_scoped3A : memref<!tpu.dma_semaphore, #tpu.memory_space<semaphore_mem>>) src(%arg5 : memref<640x128xf32, #tpu.memory_space<hbm>>) dst(%dma_wait3A_20 : memref<640x128xf32, #tpu.memory_space<vmem_shared>>)
      tpu.yield
    }) : () -> ()
    %barrier3A = arith.constant 0 : index
    tpu.barrier barrier_id(%barrier3A)
    "tpu.region"() ({
      %run_scoped3A = tpu.sem_alloc : memref<!tpu.dma_semaphore, #tpu.memory_space<semaphore_mem>>
      %dma_start3A_18 = tpu.memref_slice %arg3[%mul3A_4] : memref<327680xi32, #tpu.memory_space<hbm>> -> memref<128xi32, #tpu.memory_space<hbm>>
      %dma_start3A_19 = tpu.memref_slice %arg3[%mul3A_4] : memref<327680xi32, #tpu.memory_space<hbm>> -> memref<128xi32, #tpu.memory_space<hbm>>
      tpu.enqueue_dma source(%dma_start3A_19 : memref<128xi32, #tpu.memory_space<hbm>>) target(%arg7 : memref<128xi32, #tpu.memory_space<vmem>>) target_semaphore(%run_scoped3A : memref<!tpu.dma_semaphore, #tpu.memory_space<semaphore_mem>>)
      %dma_wait3A = tpu.memref_slice %arg3[%mul3A_4] : memref<327680xi32, #tpu.memory_space<hbm>> -> memref<128xi32, #tpu.memory_space<hbm>>
      %dma_wait3A_20 = tpu.memref_slice %arg3[%mul3A_4] : memref<327680xi32, #tpu.memory_space<hbm>> -> memref<128xi32, #tpu.memory_space<hbm>>
      tpu.wait_dma2 semaphore(%run_scoped3A : memref<!tpu.dma_semaphore, #tpu.memory_space<semaphore_mem>>) src(%dma_wait3A_20 : memref<128xi32, #tpu.memory_space<hbm>>) dst(%arg7 : memref<128xi32, #tpu.memory_space<vmem>>)
      tpu.yield
    }) : () -> ()
    "tpu.region"() ({
      %run_scoped3A = tpu.sem_alloc : memref<!tpu.dma_semaphore, #tpu.memory_space<semaphore_mem>>
      %dma_start3A_18 = tpu.memref_slice %arg4[%mul3A_4] : memref<327680xi32, #tpu.memory_space<hbm>> -> memref<128xi32, #tpu.memory_space<hbm>>
      %dma_start3A_19 = tpu.memref_slice %arg4[%mul3A_4] : memref<327680xi32, #tpu.memory_space<hbm>> -> memref<128xi32, #tpu.memory_space<hbm>>
      tpu.enqueue_dma source(%dma_start3A_19 : memref<128xi32, #tpu.memory_space<hbm>>) target(%arg8 : memref<128xi32, #tpu.memory_space<vmem>>) target_semaphore(%run_scoped3A : memref<!tpu.dma_semaphore, #tpu.memory_space<semaphore_mem>>)
      %dma_wait3A = tpu.memref_slice %arg4[%mul3A_4] : memref<327680xi32, #tpu.memory_space<hbm>> -> memref<128xi32, #tpu.memory_space<hbm>>
      %dma_wait3A_20 = tpu.memref_slice %arg4[%mul3A_4] : memref<327680xi32, #tpu.memory_space<hbm>> -> memref<128xi32, #tpu.memory_space<hbm>>
      tpu.wait_dma2 semaphore(%run_scoped3A : memref<!tpu.dma_semaphore, #tpu.memory_space<semaphore_mem>>) src(%dma_wait3A_20 : memref<128xi32, #tpu.memory_space<hbm>>) dst(%arg8 : memref<128xi32, #tpu.memory_space<vmem>>)
      tpu.yield
    }) : () -> ()
    %dma_start3A = arith.constant 0 : i32
    %dma_start3A_7 = arith.constant 0 : i32
    %dma_start3A_8 = tpu.memref_slice %arg2[%dma_start3A, %dma_start3A_7] : memref<10016x128xf32, #tpu.memory_space<hbm>> -> memref<10016x128xf32, #tpu.memory_space<hbm>>
    tpu.enqueue_indirect_dma source(%dma_start3A_8 : memref<10016x128xf32, #tpu.memory_space<hbm>>) target(%arg11 : memref<128x128xf32, #tpu.memory_space<vmem>>) offsets(%arg7 : memref<128xi32, #tpu.memory_space<vmem>>) semaphore(%arg14 : memref<!tpu.dma_semaphore, #tpu.memory_space<semaphore_mem>>)
    %scan3A = arith.constant 0 : i32
    %scan3A_9 = arith.constant 40 : i32
    %scan3A_10 = arith.addi %scan3A, %scan3A_9 : i32
    %scan3A_11 = arith.constant 1 : i32
    scf.for %scan3A_18 = %scan3A to %scan3A_10 step %scan3A_11  : i32 {
      %mul3A_19 = arith.constant 2 : i32
      %mul3A_20 = arith.muli %scan3A_18, %mul3A_19 : i32
      %add3A_21 = arith.constant 0 : i32
      %add3A_22 = arith.addi %add3A_21, %mul3A_20 : i32
      %add3A_23 = arith.constant 1 : i32
      %add3A_24 = arith.addi %add3A_22, %add3A_23 : i32
      %mul3A_25 = arith.constant 128 : i32
      %mul3A_26 = arith.muli %add3A_24, %mul3A_25 : i32
      %add3A_27 = arith.addi %mul3A_4, %mul3A_26 : i32
      "tpu.region"() ({
        %run_scoped3A = tpu.sem_alloc : memref<!tpu.dma_semaphore, #tpu.memory_space<semaphore_mem>>
        %dma_start3A_40 = tpu.memref_slice %arg3[%add3A_27] : memref<327680xi32, #tpu.memory_space<hbm>> -> memref<128xi32, #tpu.memory_space<hbm>>
        %dma_start3A_41 = tpu.memref_slice %arg3[%add3A_27] : memref<327680xi32, #tpu.memory_space<hbm>> -> memref<128xi32, #tpu.memory_space<hbm>>
        tpu.enqueue_dma source(%dma_start3A_41 : memref<128xi32, #tpu.memory_space<hbm>>) target(%arg9 : memref<128xi32, #tpu.memory_space<vmem>>) target_semaphore(%run_scoped3A : memref<!tpu.dma_semaphore, #tpu.memory_space<semaphore_mem>>)
        %dma_wait3A_42 = tpu.memref_slice %arg3[%add3A_27] : memref<327680xi32, #tpu.memory_space<hbm>> -> memref<128xi32, #tpu.memory_space<hbm>>
        %dma_wait3A_43 = tpu.memref_slice %arg3[%add3A_27] : memref<327680xi32, #tpu.memory_space<hbm>> -> memref<128xi32, #tpu.memory_space<hbm>>
        tpu.wait_dma2 semaphore(%run_scoped3A : memref<!tpu.dma_semaphore, #tpu.memory_space<semaphore_mem>>) src(%dma_wait3A_43 : memref<128xi32, #tpu.memory_space<hbm>>) dst(%arg9 : memref<128xi32, #tpu.memory_space<vmem>>)
        tpu.yield
      }) : () -> ()
      "tpu.region"() ({
        %run_scoped3A = tpu.sem_alloc : memref<!tpu.dma_semaphore, #tpu.memory_space<semaphore_mem>>
        %dma_start3A_40 = tpu.memref_slice %arg4[%add3A_27] : memref<327680xi32, #tpu.memory_space<hbm>> -> memref<128xi32, #tpu.memory_space<hbm>>
        %dma_start3A_41 = tpu.memref_slice %arg4[%add3A_27] : memref<327680xi32, #tpu.memory_space<hbm>> -> memref<128xi32, #tpu.memory_space<hbm>>
        tpu.enqueue_dma source(%dma_start3A_41 : memref<128xi32, #tpu.memory_space<hbm>>) target(%arg10 : memref<128xi32, #tpu.memory_space<vmem>>) target_semaphore(%run_scoped3A : memref<!tpu.dma_semaphore, #tpu.memory_space<semaphore_mem>>)
        %dma_wait3A_42 = tpu.memref_slice %arg4[%add3A_27] : memref<327680xi32, #tpu.memory_space<hbm>> -> memref<128xi32, #tpu.memory_space<hbm>>
        %dma_wait3A_43 = tpu.memref_slice %arg4[%add3A_27] : memref<327680xi32, #tpu.memory_space<hbm>> -> memref<128xi32, #tpu.memory_space<hbm>>
        tpu.wait_dma2 semaphore(%run_scoped3A : memref<!tpu.dma_semaphore, #tpu.memory_space<semaphore_mem>>) src(%dma_wait3A_43 : memref<128xi32, #tpu.memory_space<hbm>>) dst(%arg10 : memref<128xi32, #tpu.memory_space<vmem>>)
        tpu.yield
      }) : () -> ()
      %dma_start3A_28 = arith.constant 0 : i32
      %dma_start3A_29 = arith.constant 0 : i32
      %dma_start3A_30 = tpu.memref_slice %arg2[%dma_start3A_28, %dma_start3A_29] : memref<10016x128xf32, #tpu.memory_space<hbm>> -> memref<10016x128xf32, #tpu.memory_space<hbm>>
      tpu.enqueue_indirect_dma source(%dma_start3A_30 : memref<10016x128xf32, #tpu.memory_space<hbm>>) target(%arg12 : memref<128x128xf32, #tpu.memory_space<vmem>>) offsets(%arg9 : memref<128xi32, #tpu.memory_space<vmem>>) semaphore(%arg15 : memref<!tpu.dma_semaphore, #tpu.memory_space<semaphore_mem>>)
      %dma_wait3A = arith.constant 0 : i32
      %dma_wait3A_31 = arith.constant 0 : i32
      %dma_wait3A_32 = tpu.memref_slice %arg2[%dma_wait3A, %dma_wait3A_31] : memref<10016x128xf32, #tpu.memory_space<hbm>> -> memref<10016x128xf32, #tpu.memory_space<hbm>>
      tpu.wait_indirect_dma semaphore(%arg14 : memref<!tpu.dma_semaphore, #tpu.memory_space<semaphore_mem>>) src(%dma_wait3A_32 : memref<10016x128xf32, #tpu.memory_space<hbm>>) dst(%arg11 : memref<128x128xf32, #tpu.memory_space<vmem>>)
      "tpu.region"() ({
        %run_scoped3A = tpu.sem_alloc : memref<!tpu.dma_semaphore, #tpu.memory_space<semaphore_mem>>
        %dma_start3A_40 = arith.constant 0 : i32
        %dma_start3A_41 = arith.constant 0 : i32
        %dma_start3A_42 = tpu.memref_slice %arg13[%dma_start3A_40, %dma_start3A_41] : memref<10240x128xf32, #tpu.memory_space<vmem_shared>> -> memref<10240x128xf32, #tpu.memory_space<vmem_shared>>
        tpu.enqueue_indirect_dma source(%arg11 : memref<128x128xf32, #tpu.memory_space<vmem>>) target(%dma_start3A_42 : memref<10240x128xf32, #tpu.memory_space<vmem_shared>>) offsets(%arg8 : memref<128xi32, #tpu.memory_space<vmem>>) semaphore(%run_scoped3A : memref<!tpu.dma_semaphore, #tpu.memory_space<semaphore_mem>>) {add = true}
        %dma_wait3A_43 = arith.constant 0 : i32
        %dma_wait3A_44 = arith.constant 0 : i32
        %dma_wait3A_45 = tpu.memref_slice %arg13[%dma_wait3A_43, %dma_wait3A_44] : memref<10240x128xf32, #tpu.memory_space<vmem_shared>> -> memref<10240x128xf32, #tpu.memory_space<vmem_shared>>
        tpu.wait_indirect_dma semaphore(%run_scoped3A : memref<!tpu.dma_semaphore, #tpu.memory_space<semaphore_mem>>) src(%arg11 : memref<128x128xf32, #tpu.memory_space<vmem>>) dst(%dma_wait3A_45 : memref<10240x128xf32, #tpu.memory_space<vmem_shared>>)
        tpu.yield
      }) : () -> ()
      %add3A_33 = arith.constant 2 : i32
      %add3A_34 = arith.addi %add3A_22, %add3A_33 : i32
      %lt3A = arith.constant 80 : i32
      %lt3A_35 = arith.cmpi slt, %add3A_34, %lt3A : i32
      %convert_element_type3A = arith.extui %lt3A_35 : i1 to i32
      %cond3A = arith.constant 0 : i32
      %cond3A_36 = arith.cmpi ne, %convert_element_type3A, %cond3A : i32
      scf.if %cond3A_36 {
        %add3A_40 = arith.constant 2 : i32
        %add3A_41 = arith.addi %add3A_22, %add3A_40 : i32
        %mul3A_42 = arith.constant 128 : i32
        %mul3A_43 = arith.muli %add3A_41, %mul3A_42 : i32
        %add3A_44 = arith.addi %mul3A_4, %mul3A_43 : i32
        "tpu.region"() ({
          %run_scoped3A = tpu.sem_alloc : memref<!tpu.dma_semaphore, #tpu.memory_space<semaphore_mem>>
          %dma_start3A_48 = tpu.memref_slice %arg3[%add3A_44] : memref<327680xi32, #tpu.memory_space<hbm>> -> memref<128xi32, #tpu.memory_space<hbm>>
          %dma_start3A_49 = tpu.memref_slice %arg3[%add3A_44] : memref<327680xi32, #tpu.memory_space<hbm>> -> memref<128xi32, #tpu.memory_space<hbm>>
          tpu.enqueue_dma source(%dma_start3A_49 : memref<128xi32, #tpu.memory_space<hbm>>) target(%arg7 : memref<128xi32, #tpu.memory_space<vmem>>) target_semaphore(%run_scoped3A : memref<!tpu.dma_semaphore, #tpu.memory_space<semaphore_mem>>)
          %dma_wait3A_50 = tpu.memref_slice %arg3[%add3A_44] : memref<327680xi32, #tpu.memory_space<hbm>> -> memref<128xi32, #tpu.memory_space<hbm>>
          %dma_wait3A_51 = tpu.memref_slice %arg3[%add3A_44] : memref<327680xi32, #tpu.memory_space<hbm>> -> memref<128xi32, #tpu.memory_space<hbm>>
          tpu.wait_dma2 semaphore(%run_scoped3A : memref<!tpu.dma_semaphore, #tpu.memory_space<semaphore_mem>>) src(%dma_wait3A_51 : memref<128xi32, #tpu.memory_space<hbm>>) dst(%arg7 : memref<128xi32, #tpu.memory_space<vmem>>)
          tpu.yield
        }) : () -> ()
        "tpu.region"() ({
          %run_scoped3A = tpu.sem_alloc : memref<!tpu.dma_semaphore, #tpu.memory_space<semaphore_mem>>
          %dma_start3A_48 = tpu.memref_slice %arg4[%add3A_44] : memref<327680xi32, #tpu.memory_space<hbm>> -> memref<128xi32, #tpu.memory_space<hbm>>
          %dma_start3A_49 = tpu.memref_slice %arg4[%add3A_44] : memref<327680xi32, #tpu.memory_space<hbm>> -> memref<128xi32, #tpu.memory_space<hbm>>
          tpu.enqueue_dma source(%dma_start3A_49 : memref<128xi32, #tpu.memory_space<hbm>>) target(%arg8 : memref<128xi32, #tpu.memory_space<vmem>>) target_semaphore(%run_scoped3A : memref<!tpu.dma_semaphore, #tpu.memory_space<semaphore_mem>>)
          %dma_wait3A_50 = tpu.memref_slice %arg4[%add3A_44] : memref<327680xi32, #tpu.memory_space<hbm>> -> memref<128xi32, #tpu.memory_space<hbm>>
          %dma_wait3A_51 = tpu.memref_slice %arg4[%add3A_44] : memref<327680xi32, #tpu.memory_space<hbm>> -> memref<128xi32, #tpu.memory_space<hbm>>
          tpu.wait_dma2 semaphore(%run_scoped3A : memref<!tpu.dma_semaphore, #tpu.memory_space<semaphore_mem>>) src(%dma_wait3A_51 : memref<128xi32, #tpu.memory_space<hbm>>) dst(%arg8 : memref<128xi32, #tpu.memory_space<vmem>>)
          tpu.yield
        }) : () -> ()
        %dma_start3A_45 = arith.constant 0 : i32
        %dma_start3A_46 = arith.constant 0 : i32
        %dma_start3A_47 = tpu.memref_slice %arg2[%dma_start3A_45, %dma_start3A_46] : memref<10016x128xf32, #tpu.memory_space<hbm>> -> memref<10016x128xf32, #tpu.memory_space<hbm>>
        tpu.enqueue_indirect_dma source(%dma_start3A_47 : memref<10016x128xf32, #tpu.memory_space<hbm>>) target(%arg11 : memref<128x128xf32, #tpu.memory_space<vmem>>) offsets(%arg7 : memref<128xi32, #tpu.memory_space<vmem>>) semaphore(%arg14 : memref<!tpu.dma_semaphore, #tpu.memory_space<semaphore_mem>>)
      } else {
      }
      %dma_wait3A_37 = arith.constant 0 : i32
      %dma_wait3A_38 = arith.constant 0 : i32
      %dma_wait3A_39 = tpu.memref_slice %arg2[%dma_wait3A_37, %dma_wait3A_38] : memref<10016x128xf32, #tpu.memory_space<hbm>> -> memref<10016x128xf32, #tpu.memory_space<hbm>>
      tpu.wait_indirect_dma semaphore(%arg15 : memref<!tpu.dma_semaphore, #tpu.memory_space<semaphore_mem>>) src(%dma_wait3A_39 : memref<10016x128xf32, #tpu.memory_space<hbm>>) dst(%arg12 : memref<128x128xf32, #tpu.memory_space<vmem>>)
      "tpu.region"() ({
        %run_scoped3A = tpu.sem_alloc : memref<!tpu.dma_semaphore, #tpu.memory_space<semaphore_mem>>
        %dma_start3A_40 = arith.constant 0 : i32
        %dma_start3A_41 = arith.constant 0 : i32
        %dma_start3A_42 = tpu.memref_slice %arg13[%dma_start3A_40, %dma_start3A_41] : memref<10240x128xf32, #tpu.memory_space<vmem_shared>> -> memref<10240x128xf32, #tpu.memory_space<vmem_shared>>
        tpu.enqueue_indirect_dma source(%arg12 : memref<128x128xf32, #tpu.memory_space<vmem>>) target(%dma_start3A_42 : memref<10240x128xf32, #tpu.memory_space<vmem_shared>>) offsets(%arg10 : memref<128xi32, #tpu.memory_space<vmem>>) semaphore(%run_scoped3A : memref<!tpu.dma_semaphore, #tpu.memory_space<semaphore_mem>>) {add = true}
        %dma_wait3A_43 = arith.constant 0 : i32
        %dma_wait3A_44 = arith.constant 0 : i32
        %dma_wait3A_45 = tpu.memref_slice %arg13[%dma_wait3A_43, %dma_wait3A_44] : memref<10240x128xf32, #tpu.memory_space<vmem_shared>> -> memref<10240x128xf32, #tpu.memory_space<vmem_shared>>
        tpu.wait_indirect_dma semaphore(%run_scoped3A : memref<!tpu.dma_semaphore, #tpu.memory_space<semaphore_mem>>) src(%arg12 : memref<128x128xf32, #tpu.memory_space<vmem>>) dst(%dma_wait3A_45 : memref<10240x128xf32, #tpu.memory_space<vmem_shared>>)
        tpu.yield
      }) : () -> ()
    }
    %scan3A_12 = arith.constant 40 : i32
    %barrier3A_13 = arith.constant 0 : index
    tpu.barrier barrier_id(%barrier3A_13)
    %mul3A_14 = arith.constant 640 : i32
    %mul3A_15 = arith.muli %arg1, %mul3A_14 : i32
    %mul3A_16 = arith.constant 640 : i32
    %mul3A_17 = arith.muli %arg1, %mul3A_16 : i32
    "tpu.region"() ({
      %run_scoped3A = tpu.sem_alloc : memref<!tpu.dma_semaphore, #tpu.memory_space<semaphore_mem>>
      %dma_start3A_18 = arith.constant 0 : i32
      %dma_start3A_19 = tpu.memref_slice %arg6[%arg0, %mul3A_17, %dma_start3A_18] : memref<2x10240x128xf32, #tpu.memory_space<hbm>> -> memref<1x640x128xf32, #tpu.memory_space<hbm>>
      %dma_start3A_20 = tpu.memref_squeeze %dma_start3A_19 : memref<1x640x128xf32, #tpu.memory_space<hbm>> -> memref<640x128xf32, #tpu.memory_space<hbm>>
      %dma_start3A_21 = arith.constant 0 : i32
      %dma_start3A_22 = tpu.memref_slice %arg13[%mul3A_15, %dma_start3A_21] : memref<10240x128xf32, #tpu.memory_space<vmem_shared>> -> memref<640x128xf32, #tpu.memory_space<vmem_shared>>
      tpu.enqueue_dma source(%dma_start3A_22 : memref<640x128xf32, #tpu.memory_space<vmem_shared>>) target(%dma_start3A_20 : memref<640x128xf32, #tpu.memory_space<hbm>>) target_semaphore(%run_scoped3A : memref<!tpu.dma_semaphore, #tpu.memory_space<semaphore_mem>>)
      %dma_wait3A = arith.constant 0 : i32
      %dma_wait3A_23 = tpu.memref_slice %arg6[%arg0, %mul3A_17, %dma_wait3A] : memref<2x10240x128xf32, #tpu.memory_space<hbm>> -> memref<1x640x128xf32, #tpu.memory_space<hbm>>
      %dma_wait3A_24 = tpu.memref_squeeze %dma_wait3A_23 : memref<1x640x128xf32, #tpu.memory_space<hbm>> -> memref<640x128xf32, #tpu.memory_space<hbm>>
      %dma_wait3A_25 = arith.constant 0 : i32
      %dma_wait3A_26 = tpu.memref_slice %arg13[%mul3A_15, %dma_wait3A_25] : memref<10240x128xf32, #tpu.memory_space<vmem_shared>> -> memref<640x128xf32, #tpu.memory_space<vmem_shared>>
      tpu.wait_dma2 semaphore(%run_scoped3A : memref<!tpu.dma_semaphore, #tpu.memory_space<semaphore_mem>>) src(%dma_wait3A_26 : memref<640x128xf32, #tpu.memory_space<vmem_shared>>) dst(%dma_wait3A_24 : memref<640x128xf32, #tpu.memory_space<hbm>>)
      tpu.yield
    }) : () -> ()
    return
  }
}

#map = affine_map<(d0, d1) -> (0)>
#map1 = affine_map<(d0, d1) -> (0, 0)>
#map2 = affine_map<(d0, d1) -> (0, 0, 0)>
module attributes {stable_mosaic.version = 14 : i64} {
  func.func @_deg_kernel(%arg0: i32, %arg1: i32, %arg2: memref<327680xi32, #tpu.memory_space<hbm>>, %arg3: memref<128x128xf32, #tpu.memory_space<hbm>>, %arg4: memref<640x128xf32, #tpu.memory_space<hbm>>, %arg5: memref<2x10240x128xf32, #tpu.memory_space<hbm>>, %arg6: memref<128xi32, #tpu.memory_space<vmem>>, %arg7: memref<128x128xf32, #tpu.memory_space<vmem>>, %arg8: memref<10240x128xf32, #tpu.memory_space<vmem_shared>>) attributes {dimension_semantics = [#tpu.dimension_semantics<core_parallel>, #tpu.dimension_semantics<subcore_parallel>], iteration_bounds = array<i64: 2, 16>, scalar_prefetch = 0 : i64, scratch_operands = 3 : i64, tpu.core_type = #tpu.core_type<sc_vector_subcore>, window_params = [{transform_indices = #map}, {transform_indices = #map1}, {transform_indices = #map1}, {transform_indices = #map2}]} {
    %mul3A = arith.constant 2 : i32
    %mul3A_0 = arith.muli %arg1, %mul3A : i32
    %add3A = arith.addi %mul3A_0, %arg0 : i32
    "tpu.region"() ({
      %run_scoped3A = tpu.sem_alloc : memref<!tpu.dma_semaphore, #tpu.memory_space<semaphore_mem>>
      tpu.enqueue_dma source(%arg3 : memref<128x128xf32, #tpu.memory_space<hbm>>) target(%arg7 : memref<128x128xf32, #tpu.memory_space<vmem>>) target_semaphore(%run_scoped3A : memref<!tpu.dma_semaphore, #tpu.memory_space<semaphore_mem>>)
      tpu.wait_dma2 semaphore(%run_scoped3A : memref<!tpu.dma_semaphore, #tpu.memory_space<semaphore_mem>>) src(%arg3 : memref<128x128xf32, #tpu.memory_space<hbm>>) dst(%arg7 : memref<128x128xf32, #tpu.memory_space<vmem>>)
      tpu.yield
    }) : () -> ()
    %mul3A_1 = arith.constant 640 : i32
    %mul3A_2 = arith.muli %arg1, %mul3A_1 : i32
    "tpu.region"() ({
      %run_scoped3A = tpu.sem_alloc : memref<!tpu.dma_semaphore, #tpu.memory_space<semaphore_mem>>
      %dma_start3A = arith.constant 0 : i32
      %dma_start3A_12 = tpu.memref_slice %arg8[%mul3A_2, %dma_start3A] : memref<10240x128xf32, #tpu.memory_space<vmem_shared>> -> memref<640x128xf32, #tpu.memory_space<vmem_shared>>
      tpu.enqueue_dma source(%arg4 : memref<640x128xf32, #tpu.memory_space<hbm>>) target(%dma_start3A_12 : memref<640x128xf32, #tpu.memory_space<vmem_shared>>) target_semaphore(%run_scoped3A : memref<!tpu.dma_semaphore, #tpu.memory_space<semaphore_mem>>)
      %dma_wait3A = arith.constant 0 : i32
      %dma_wait3A_13 = tpu.memref_slice %arg8[%mul3A_2, %dma_wait3A] : memref<10240x128xf32, #tpu.memory_space<vmem_shared>> -> memref<640x128xf32, #tpu.memory_space<vmem_shared>>
      tpu.wait_dma2 semaphore(%run_scoped3A : memref<!tpu.dma_semaphore, #tpu.memory_space<semaphore_mem>>) src(%arg4 : memref<640x128xf32, #tpu.memory_space<hbm>>) dst(%dma_wait3A_13 : memref<640x128xf32, #tpu.memory_space<vmem_shared>>)
      tpu.yield
    }) : () -> ()
    %barrier3A = arith.constant 0 : index
    tpu.barrier barrier_id(%barrier3A)
    %scan3A = arith.constant 0 : i32
    %scan3A_3 = arith.constant 80 : i32
    %scan3A_4 = arith.addi %scan3A, %scan3A_3 : i32
    %scan3A_5 = arith.constant 1 : i32
    scf.for %scan3A_12 = %scan3A to %scan3A_4 step %scan3A_5  : i32 {
      %mul3A_13 = arith.constant 1 : i32
      %mul3A_14 = arith.muli %scan3A_12, %mul3A_13 : i32
      %add3A_15 = arith.constant 0 : i32
      %add3A_16 = arith.addi %add3A_15, %mul3A_14 : i32
      %mul3A_17 = arith.constant 80 : i32
      %mul3A_18 = arith.muli %add3A, %mul3A_17 : i32
      %add3A_19 = arith.addi %mul3A_18, %add3A_16 : i32
      %mul3A_20 = arith.constant 128 : i32
      %mul3A_21 = arith.muli %add3A_19, %mul3A_20 : i32
      "tpu.region"() ({
        %run_scoped3A = tpu.sem_alloc : memref<!tpu.dma_semaphore, #tpu.memory_space<semaphore_mem>>
        %dma_start3A = tpu.memref_slice %arg2[%mul3A_21] : memref<327680xi32, #tpu.memory_space<hbm>> -> memref<128xi32, #tpu.memory_space<hbm>>
        %dma_start3A_22 = tpu.memref_slice %arg2[%mul3A_21] : memref<327680xi32, #tpu.memory_space<hbm>> -> memref<128xi32, #tpu.memory_space<hbm>>
        tpu.enqueue_dma source(%dma_start3A_22 : memref<128xi32, #tpu.memory_space<hbm>>) target(%arg6 : memref<128xi32, #tpu.memory_space<vmem>>) target_semaphore(%run_scoped3A : memref<!tpu.dma_semaphore, #tpu.memory_space<semaphore_mem>>)
        %dma_wait3A = tpu.memref_slice %arg2[%mul3A_21] : memref<327680xi32, #tpu.memory_space<hbm>> -> memref<128xi32, #tpu.memory_space<hbm>>
        %dma_wait3A_23 = tpu.memref_slice %arg2[%mul3A_21] : memref<327680xi32, #tpu.memory_space<hbm>> -> memref<128xi32, #tpu.memory_space<hbm>>
        tpu.wait_dma2 semaphore(%run_scoped3A : memref<!tpu.dma_semaphore, #tpu.memory_space<semaphore_mem>>) src(%dma_wait3A_23 : memref<128xi32, #tpu.memory_space<hbm>>) dst(%arg6 : memref<128xi32, #tpu.memory_space<vmem>>)
        tpu.yield
      }) : () -> ()
      "tpu.region"() ({
        %run_scoped3A = tpu.sem_alloc : memref<!tpu.dma_semaphore, #tpu.memory_space<semaphore_mem>>
        %dma_start3A = arith.constant 0 : i32
        %dma_start3A_22 = arith.constant 0 : i32
        %dma_start3A_23 = tpu.memref_slice %arg8[%dma_start3A, %dma_start3A_22] : memref<10240x128xf32, #tpu.memory_space<vmem_shared>> -> memref<10240x128xf32, #tpu.memory_space<vmem_shared>>
        tpu.enqueue_indirect_dma source(%arg7 : memref<128x128xf32, #tpu.memory_space<vmem>>) target(%dma_start3A_23 : memref<10240x128xf32, #tpu.memory_space<vmem_shared>>) offsets(%arg6 : memref<128xi32, #tpu.memory_space<vmem>>) semaphore(%run_scoped3A : memref<!tpu.dma_semaphore, #tpu.memory_space<semaphore_mem>>) {add = true}
        %dma_wait3A = arith.constant 0 : i32
        %dma_wait3A_24 = arith.constant 0 : i32
        %dma_wait3A_25 = tpu.memref_slice %arg8[%dma_wait3A, %dma_wait3A_24] : memref<10240x128xf32, #tpu.memory_space<vmem_shared>> -> memref<10240x128xf32, #tpu.memory_space<vmem_shared>>
        tpu.wait_indirect_dma semaphore(%run_scoped3A : memref<!tpu.dma_semaphore, #tpu.memory_space<semaphore_mem>>) src(%arg7 : memref<128x128xf32, #tpu.memory_space<vmem>>) dst(%dma_wait3A_25 : memref<10240x128xf32, #tpu.memory_space<vmem_shared>>)
        tpu.yield
      }) : () -> ()
    }
    %scan3A_6 = arith.constant 80 : i32
    %barrier3A_7 = arith.constant 0 : index
    tpu.barrier barrier_id(%barrier3A_7)
    %mul3A_8 = arith.constant 640 : i32
    %mul3A_9 = arith.muli %arg1, %mul3A_8 : i32
    %mul3A_10 = arith.constant 640 : i32
    %mul3A_11 = arith.muli %arg1, %mul3A_10 : i32
    "tpu.region"() ({
      %run_scoped3A = tpu.sem_alloc : memref<!tpu.dma_semaphore, #tpu.memory_space<semaphore_mem>>
      %dma_start3A = arith.constant 0 : i32
      %dma_start3A_12 = tpu.memref_slice %arg5[%arg0, %mul3A_11, %dma_start3A] : memref<2x10240x128xf32, #tpu.memory_space<hbm>> -> memref<1x640x128xf32, #tpu.memory_space<hbm>>
      %dma_start3A_13 = tpu.memref_squeeze %dma_start3A_12 : memref<1x640x128xf32, #tpu.memory_space<hbm>> -> memref<640x128xf32, #tpu.memory_space<hbm>>
      %dma_start3A_14 = arith.constant 0 : i32
      %dma_start3A_15 = tpu.memref_slice %arg8[%mul3A_9, %dma_start3A_14] : memref<10240x128xf32, #tpu.memory_space<vmem_shared>> -> memref<640x128xf32, #tpu.memory_space<vmem_shared>>
      tpu.enqueue_dma source(%dma_start3A_15 : memref<640x128xf32, #tpu.memory_space<vmem_shared>>) target(%dma_start3A_13 : memref<640x128xf32, #tpu.memory_space<hbm>>) target_semaphore(%run_scoped3A : memref<!tpu.dma_semaphore, #tpu.memory_space<semaphore_mem>>)
      %dma_wait3A = arith.constant 0 : i32
      %dma_wait3A_16 = tpu.memref_slice %arg5[%arg0, %mul3A_11, %dma_wait3A] : memref<2x10240x128xf32, #tpu.memory_space<hbm>> -> memref<1x640x128xf32, #tpu.memory_space<hbm>>
      %dma_wait3A_17 = tpu.memref_squeeze %dma_wait3A_16 : memref<1x640x128xf32, #tpu.memory_space<hbm>> -> memref<640x128xf32, #tpu.memory_space<hbm>>
      %dma_wait3A_18 = arith.constant 0 : i32
      %dma_wait3A_19 = tpu.memref_slice %arg8[%mul3A_9, %dma_wait3A_18] : memref<10240x128xf32, #tpu.memory_space<vmem_shared>> -> memref<640x128xf32, #tpu.memory_space<vmem_shared>>
      tpu.wait_dma2 semaphore(%run_scoped3A : memref<!tpu.dma_semaphore, #tpu.memory_space<semaphore_mem>>) src(%dma_wait3A_19 : memref<640x128xf32, #tpu.memory_space<vmem_shared>>) dst(%dma_wait3A_17 : memref<640x128xf32, #tpu.memory_space<hbm>>)
      tpu.yield
    }) : () -> ()
    return
  }
}

#map = affine_map<(d0, d1) -> (0, 0)>
#map1 = affine_map<(d0, d1) -> (0)>
#map2 = affine_map<(d0, d1) -> (0, 0, 0)>
module attributes {stable_mosaic.version = 14 : i64} {
  func.func @_agg_kernel(%arg0: i32, %arg1: i32, %arg2: memref<10016x128xf32, #tpu.memory_space<hbm>>, %arg3: memref<327680xi32, #tpu.memory_space<hbm>>, %arg4: memref<327680xi32, #tpu.memory_space<hbm>>, %arg5: memref<640x128xf32, #tpu.memory_space<hbm>>, %arg6: memref<2x10240x128xf32, #tpu.memory_space<hbm>>, %arg7: memref<128xi32, #tpu.memory_space<vmem>>, %arg8: memref<128xi32, #tpu.memory_space<vmem>>, %arg9: memref<128xi32, #tpu.memory_space<vmem>>, %arg10: memref<128xi32, #tpu.memory_space<vmem>>, %arg11: memref<128x128xf32, #tpu.memory_space<vmem>>, %arg12: memref<128x128xf32, #tpu.memory_space<vmem>>, %arg13: memref<10240x128xf32, #tpu.memory_space<vmem_shared>>, %arg14: memref<!tpu.dma_semaphore, #tpu.memory_space<semaphore_mem>>, %arg15: memref<!tpu.dma_semaphore, #tpu.memory_space<semaphore_mem>>) attributes {dimension_semantics = [#tpu.dimension_semantics<core_parallel>, #tpu.dimension_semantics<subcore_parallel>], iteration_bounds = array<i64: 2, 16>, scalar_prefetch = 0 : i64, scratch_operands = 9 : i64, tpu.core_type = #tpu.core_type<sc_vector_subcore>, window_params = [{transform_indices = #map}, {transform_indices = #map1}, {transform_indices = #map1}, {transform_indices = #map}, {transform_indices = #map2}]} {
    %mul3A = arith.constant 2 : i32
    %mul3A_0 = arith.muli %arg1, %mul3A : i32
    %add3A = arith.addi %mul3A_0, %arg0 : i32
    %mul3A_1 = arith.constant 80 : i32
    %mul3A_2 = arith.muli %add3A, %mul3A_1 : i32
    %mul3A_3 = arith.constant 128 : i32
    %mul3A_4 = arith.muli %mul3A_2, %mul3A_3 : i32
    %mul3A_5 = arith.constant 640 : i32
    %mul3A_6 = arith.muli %arg1, %mul3A_5 : i32
    "tpu.region"() ({
      %run_scoped3A = tpu.sem_alloc : memref<!tpu.dma_semaphore, #tpu.memory_space<semaphore_mem>>
      %dma_start3A_18 = arith.constant 0 : i32
      %dma_start3A_19 = tpu.memref_slice %arg13[%mul3A_6, %dma_start3A_18] : memref<10240x128xf32, #tpu.memory_space<vmem_shared>> -> memref<640x128xf32, #tpu.memory_space<vmem_shared>>
      tpu.enqueue_dma source(%arg5 : memref<640x128xf32, #tpu.memory_space<hbm>>) target(%dma_start3A_19 : memref<640x128xf32, #tpu.memory_space<vmem_shared>>) target_semaphore(%run_scoped3A : memref<!tpu.dma_semaphore, #tpu.memory_space<semaphore_mem>>)
      %dma_wait3A = arith.constant 0 : i32
      %dma_wait3A_20 = tpu.memref_slice %arg13[%mul3A_6, %dma_wait3A] : memref<10240x128xf32, #tpu.memory_space<vmem_shared>> -> memref<640x128xf32, #tpu.memory_space<vmem_shared>>
      tpu.wait_dma2 semaphore(%run_scoped3A : memref<!tpu.dma_semaphore, #tpu.memory_space<semaphore_mem>>) src(%arg5 : memref<640x128xf32, #tpu.memory_space<hbm>>) dst(%dma_wait3A_20 : memref<640x128xf32, #tpu.memory_space<vmem_shared>>)
      tpu.yield
    }) : () -> ()
    %barrier3A = arith.constant 0 : index
    tpu.barrier barrier_id(%barrier3A)
    "tpu.region"() ({
      %run_scoped3A = tpu.sem_alloc : memref<!tpu.dma_semaphore, #tpu.memory_space<semaphore_mem>>
      %dma_start3A_18 = tpu.memref_slice %arg3[%mul3A_4] : memref<327680xi32, #tpu.memory_space<hbm>> -> memref<128xi32, #tpu.memory_space<hbm>>
      %dma_start3A_19 = tpu.memref_slice %arg3[%mul3A_4] : memref<327680xi32, #tpu.memory_space<hbm>> -> memref<128xi32, #tpu.memory_space<hbm>>
      tpu.enqueue_dma source(%dma_start3A_19 : memref<128xi32, #tpu.memory_space<hbm>>) target(%arg7 : memref<128xi32, #tpu.memory_space<vmem>>) target_semaphore(%run_scoped3A : memref<!tpu.dma_semaphore, #tpu.memory_space<semaphore_mem>>)
      %dma_wait3A = tpu.memref_slice %arg3[%mul3A_4] : memref<327680xi32, #tpu.memory_space<hbm>> -> memref<128xi32, #tpu.memory_space<hbm>>
      %dma_wait3A_20 = tpu.memref_slice %arg3[%mul3A_4] : memref<327680xi32, #tpu.memory_space<hbm>> -> memref<128xi32, #tpu.memory_space<hbm>>
      tpu.wait_dma2 semaphore(%run_scoped3A : memref<!tpu.dma_semaphore, #tpu.memory_space<semaphore_mem>>) src(%dma_wait3A_20 : memref<128xi32, #tpu.memory_space<hbm>>) dst(%arg7 : memref<128xi32, #tpu.memory_space<vmem>>)
      tpu.yield
    }) : () -> ()
    "tpu.region"() ({
      %run_scoped3A = tpu.sem_alloc : memref<!tpu.dma_semaphore, #tpu.memory_space<semaphore_mem>>
      %dma_start3A_18 = tpu.memref_slice %arg4[%mul3A_4] : memref<327680xi32, #tpu.memory_space<hbm>> -> memref<128xi32, #tpu.memory_space<hbm>>
      %dma_start3A_19 = tpu.memref_slice %arg4[%mul3A_4] : memref<327680xi32, #tpu.memory_space<hbm>> -> memref<128xi32, #tpu.memory_space<hbm>>
      tpu.enqueue_dma source(%dma_start3A_19 : memref<128xi32, #tpu.memory_space<hbm>>) target(%arg8 : memref<128xi32, #tpu.memory_space<vmem>>) target_semaphore(%run_scoped3A : memref<!tpu.dma_semaphore, #tpu.memory_space<semaphore_mem>>)
      %dma_wait3A = tpu.memref_slice %arg4[%mul3A_4] : memref<327680xi32, #tpu.memory_space<hbm>> -> memref<128xi32, #tpu.memory_space<hbm>>
      %dma_wait3A_20 = tpu.memref_slice %arg4[%mul3A_4] : memref<327680xi32, #tpu.memory_space<hbm>> -> memref<128xi32, #tpu.memory_space<hbm>>
      tpu.wait_dma2 semaphore(%run_scoped3A : memref<!tpu.dma_semaphore, #tpu.memory_space<semaphore_mem>>) src(%dma_wait3A_20 : memref<128xi32, #tpu.memory_space<hbm>>) dst(%arg8 : memref<128xi32, #tpu.memory_space<vmem>>)
      tpu.yield
    }) : () -> ()
    %dma_start3A = arith.constant 0 : i32
    %dma_start3A_7 = arith.constant 0 : i32
    %dma_start3A_8 = tpu.memref_slice %arg2[%dma_start3A, %dma_start3A_7] : memref<10016x128xf32, #tpu.memory_space<hbm>> -> memref<10016x128xf32, #tpu.memory_space<hbm>>
    tpu.enqueue_indirect_dma source(%dma_start3A_8 : memref<10016x128xf32, #tpu.memory_space<hbm>>) target(%arg11 : memref<128x128xf32, #tpu.memory_space<vmem>>) offsets(%arg7 : memref<128xi32, #tpu.memory_space<vmem>>) semaphore(%arg14 : memref<!tpu.dma_semaphore, #tpu.memory_space<semaphore_mem>>)
    %scan3A = arith.constant 0 : i32
    %scan3A_9 = arith.constant 40 : i32
    %scan3A_10 = arith.addi %scan3A, %scan3A_9 : i32
    %scan3A_11 = arith.constant 1 : i32
    scf.for %scan3A_18 = %scan3A to %scan3A_10 step %scan3A_11  : i32 {
      %mul3A_19 = arith.constant 2 : i32
      %mul3A_20 = arith.muli %scan3A_18, %mul3A_19 : i32
      %add3A_21 = arith.constant 0 : i32
      %add3A_22 = arith.addi %add3A_21, %mul3A_20 : i32
      %add3A_23 = arith.constant 1 : i32
      %add3A_24 = arith.addi %add3A_22, %add3A_23 : i32
      %mul3A_25 = arith.constant 128 : i32
      %mul3A_26 = arith.muli %add3A_24, %mul3A_25 : i32
      %add3A_27 = arith.addi %mul3A_4, %mul3A_26 : i32
      "tpu.region"() ({
        %run_scoped3A = tpu.sem_alloc : memref<!tpu.dma_semaphore, #tpu.memory_space<semaphore_mem>>
        %dma_start3A_40 = tpu.memref_slice %arg3[%add3A_27] : memref<327680xi32, #tpu.memory_space<hbm>> -> memref<128xi32, #tpu.memory_space<hbm>>
        %dma_start3A_41 = tpu.memref_slice %arg3[%add3A_27] : memref<327680xi32, #tpu.memory_space<hbm>> -> memref<128xi32, #tpu.memory_space<hbm>>
        tpu.enqueue_dma source(%dma_start3A_41 : memref<128xi32, #tpu.memory_space<hbm>>) target(%arg9 : memref<128xi32, #tpu.memory_space<vmem>>) target_semaphore(%run_scoped3A : memref<!tpu.dma_semaphore, #tpu.memory_space<semaphore_mem>>)
        %dma_wait3A_42 = tpu.memref_slice %arg3[%add3A_27] : memref<327680xi32, #tpu.memory_space<hbm>> -> memref<128xi32, #tpu.memory_space<hbm>>
        %dma_wait3A_43 = tpu.memref_slice %arg3[%add3A_27] : memref<327680xi32, #tpu.memory_space<hbm>> -> memref<128xi32, #tpu.memory_space<hbm>>
        tpu.wait_dma2 semaphore(%run_scoped3A : memref<!tpu.dma_semaphore, #tpu.memory_space<semaphore_mem>>) src(%dma_wait3A_43 : memref<128xi32, #tpu.memory_space<hbm>>) dst(%arg9 : memref<128xi32, #tpu.memory_space<vmem>>)
        tpu.yield
      }) : () -> ()
      "tpu.region"() ({
        %run_scoped3A = tpu.sem_alloc : memref<!tpu.dma_semaphore, #tpu.memory_space<semaphore_mem>>
        %dma_start3A_40 = tpu.memref_slice %arg4[%add3A_27] : memref<327680xi32, #tpu.memory_space<hbm>> -> memref<128xi32, #tpu.memory_space<hbm>>
        %dma_start3A_41 = tpu.memref_slice %arg4[%add3A_27] : memref<327680xi32, #tpu.memory_space<hbm>> -> memref<128xi32, #tpu.memory_space<hbm>>
        tpu.enqueue_dma source(%dma_start3A_41 : memref<128xi32, #tpu.memory_space<hbm>>) target(%arg10 : memref<128xi32, #tpu.memory_space<vmem>>) target_semaphore(%run_scoped3A : memref<!tpu.dma_semaphore, #tpu.memory_space<semaphore_mem>>)
        %dma_wait3A_42 = tpu.memref_slice %arg4[%add3A_27] : memref<327680xi32, #tpu.memory_space<hbm>> -> memref<128xi32, #tpu.memory_space<hbm>>
        %dma_wait3A_43 = tpu.memref_slice %arg4[%add3A_27] : memref<327680xi32, #tpu.memory_space<hbm>> -> memref<128xi32, #tpu.memory_space<hbm>>
        tpu.wait_dma2 semaphore(%run_scoped3A : memref<!tpu.dma_semaphore, #tpu.memory_space<semaphore_mem>>) src(%dma_wait3A_43 : memref<128xi32, #tpu.memory_space<hbm>>) dst(%arg10 : memref<128xi32, #tpu.memory_space<vmem>>)
        tpu.yield
      }) : () -> ()
      %dma_start3A_28 = arith.constant 0 : i32
      %dma_start3A_29 = arith.constant 0 : i32
      %dma_start3A_30 = tpu.memref_slice %arg2[%dma_start3A_28, %dma_start3A_29] : memref<10016x128xf32, #tpu.memory_space<hbm>> -> memref<10016x128xf32, #tpu.memory_space<hbm>>
      tpu.enqueue_indirect_dma source(%dma_start3A_30 : memref<10016x128xf32, #tpu.memory_space<hbm>>) target(%arg12 : memref<128x128xf32, #tpu.memory_space<vmem>>) offsets(%arg9 : memref<128xi32, #tpu.memory_space<vmem>>) semaphore(%arg15 : memref<!tpu.dma_semaphore, #tpu.memory_space<semaphore_mem>>)
      %dma_wait3A = arith.constant 0 : i32
      %dma_wait3A_31 = arith.constant 0 : i32
      %dma_wait3A_32 = tpu.memref_slice %arg2[%dma_wait3A, %dma_wait3A_31] : memref<10016x128xf32, #tpu.memory_space<hbm>> -> memref<10016x128xf32, #tpu.memory_space<hbm>>
      tpu.wait_indirect_dma semaphore(%arg14 : memref<!tpu.dma_semaphore, #tpu.memory_space<semaphore_mem>>) src(%dma_wait3A_32 : memref<10016x128xf32, #tpu.memory_space<hbm>>) dst(%arg11 : memref<128x128xf32, #tpu.memory_space<vmem>>)
      "tpu.region"() ({
        %run_scoped3A = tpu.sem_alloc : memref<!tpu.dma_semaphore, #tpu.memory_space<semaphore_mem>>
        %dma_start3A_40 = arith.constant 0 : i32
        %dma_start3A_41 = arith.constant 0 : i32
        %dma_start3A_42 = tpu.memref_slice %arg13[%dma_start3A_40, %dma_start3A_41] : memref<10240x128xf32, #tpu.memory_space<vmem_shared>> -> memref<10240x128xf32, #tpu.memory_space<vmem_shared>>
        tpu.enqueue_indirect_dma source(%arg11 : memref<128x128xf32, #tpu.memory_space<vmem>>) target(%dma_start3A_42 : memref<10240x128xf32, #tpu.memory_space<vmem_shared>>) offsets(%arg8 : memref<128xi32, #tpu.memory_space<vmem>>) semaphore(%run_scoped3A : memref<!tpu.dma_semaphore, #tpu.memory_space<semaphore_mem>>) {add = true}
        %dma_wait3A_43 = arith.constant 0 : i32
        %dma_wait3A_44 = arith.constant 0 : i32
        %dma_wait3A_45 = tpu.memref_slice %arg13[%dma_wait3A_43, %dma_wait3A_44] : memref<10240x128xf32, #tpu.memory_space<vmem_shared>> -> memref<10240x128xf32, #tpu.memory_space<vmem_shared>>
        tpu.wait_indirect_dma semaphore(%run_scoped3A : memref<!tpu.dma_semaphore, #tpu.memory_space<semaphore_mem>>) src(%arg11 : memref<128x128xf32, #tpu.memory_space<vmem>>) dst(%dma_wait3A_45 : memref<10240x128xf32, #tpu.memory_space<vmem_shared>>)
        tpu.yield
      }) : () -> ()
      %add3A_33 = arith.constant 2 : i32
      %add3A_34 = arith.addi %add3A_22, %add3A_33 : i32
      %lt3A = arith.constant 80 : i32
      %lt3A_35 = arith.cmpi slt, %add3A_34, %lt3A : i32
      %convert_element_type3A = arith.extui %lt3A_35 : i1 to i32
      %cond3A = arith.constant 0 : i32
      %cond3A_36 = arith.cmpi ne, %convert_element_type3A, %cond3A : i32
      scf.if %cond3A_36 {
        %add3A_40 = arith.constant 2 : i32
        %add3A_41 = arith.addi %add3A_22, %add3A_40 : i32
        %mul3A_42 = arith.constant 128 : i32
        %mul3A_43 = arith.muli %add3A_41, %mul3A_42 : i32
        %add3A_44 = arith.addi %mul3A_4, %mul3A_43 : i32
        "tpu.region"() ({
          %run_scoped3A = tpu.sem_alloc : memref<!tpu.dma_semaphore, #tpu.memory_space<semaphore_mem>>
          %dma_start3A_48 = tpu.memref_slice %arg3[%add3A_44] : memref<327680xi32, #tpu.memory_space<hbm>> -> memref<128xi32, #tpu.memory_space<hbm>>
          %dma_start3A_49 = tpu.memref_slice %arg3[%add3A_44] : memref<327680xi32, #tpu.memory_space<hbm>> -> memref<128xi32, #tpu.memory_space<hbm>>
          tpu.enqueue_dma source(%dma_start3A_49 : memref<128xi32, #tpu.memory_space<hbm>>) target(%arg7 : memref<128xi32, #tpu.memory_space<vmem>>) target_semaphore(%run_scoped3A : memref<!tpu.dma_semaphore, #tpu.memory_space<semaphore_mem>>)
          %dma_wait3A_50 = tpu.memref_slice %arg3[%add3A_44] : memref<327680xi32, #tpu.memory_space<hbm>> -> memref<128xi32, #tpu.memory_space<hbm>>
          %dma_wait3A_51 = tpu.memref_slice %arg3[%add3A_44] : memref<327680xi32, #tpu.memory_space<hbm>> -> memref<128xi32, #tpu.memory_space<hbm>>
          tpu.wait_dma2 semaphore(%run_scoped3A : memref<!tpu.dma_semaphore, #tpu.memory_space<semaphore_mem>>) src(%dma_wait3A_51 : memref<128xi32, #tpu.memory_space<hbm>>) dst(%arg7 : memref<128xi32, #tpu.memory_space<vmem>>)
          tpu.yield
        }) : () -> ()
        "tpu.region"() ({
          %run_scoped3A = tpu.sem_alloc : memref<!tpu.dma_semaphore, #tpu.memory_space<semaphore_mem>>
          %dma_start3A_48 = tpu.memref_slice %arg4[%add3A_44] : memref<327680xi32, #tpu.memory_space<hbm>> -> memref<128xi32, #tpu.memory_space<hbm>>
          %dma_start3A_49 = tpu.memref_slice %arg4[%add3A_44] : memref<327680xi32, #tpu.memory_space<hbm>> -> memref<128xi32, #tpu.memory_space<hbm>>
          tpu.enqueue_dma source(%dma_start3A_49 : memref<128xi32, #tpu.memory_space<hbm>>) target(%arg8 : memref<128xi32, #tpu.memory_space<vmem>>) target_semaphore(%run_scoped3A : memref<!tpu.dma_semaphore, #tpu.memory_space<semaphore_mem>>)
          %dma_wait3A_50 = tpu.memref_slice %arg4[%add3A_44] : memref<327680xi32, #tpu.memory_space<hbm>> -> memref<128xi32, #tpu.memory_space<hbm>>
          %dma_wait3A_51 = tpu.memref_slice %arg4[%add3A_44] : memref<327680xi32, #tpu.memory_space<hbm>> -> memref<128xi32, #tpu.memory_space<hbm>>
          tpu.wait_dma2 semaphore(%run_scoped3A : memref<!tpu.dma_semaphore, #tpu.memory_space<semaphore_mem>>) src(%dma_wait3A_51 : memref<128xi32, #tpu.memory_space<hbm>>) dst(%arg8 : memref<128xi32, #tpu.memory_space<vmem>>)
          tpu.yield
        }) : () -> ()
        %dma_start3A_45 = arith.constant 0 : i32
        %dma_start3A_46 = arith.constant 0 : i32
        %dma_start3A_47 = tpu.memref_slice %arg2[%dma_start3A_45, %dma_start3A_46] : memref<10016x128xf32, #tpu.memory_space<hbm>> -> memref<10016x128xf32, #tpu.memory_space<hbm>>
        tpu.enqueue_indirect_dma source(%dma_start3A_47 : memref<10016x128xf32, #tpu.memory_space<hbm>>) target(%arg11 : memref<128x128xf32, #tpu.memory_space<vmem>>) offsets(%arg7 : memref<128xi32, #tpu.memory_space<vmem>>) semaphore(%arg14 : memref<!tpu.dma_semaphore, #tpu.memory_space<semaphore_mem>>)
      } else {
      }
      %dma_wait3A_37 = arith.constant 0 : i32
      %dma_wait3A_38 = arith.constant 0 : i32
      %dma_wait3A_39 = tpu.memref_slice %arg2[%dma_wait3A_37, %dma_wait3A_38] : memref<10016x128xf32, #tpu.memory_space<hbm>> -> memref<10016x128xf32, #tpu.memory_space<hbm>>
      tpu.wait_indirect_dma semaphore(%arg15 : memref<!tpu.dma_semaphore, #tpu.memory_space<semaphore_mem>>) src(%dma_wait3A_39 : memref<10016x128xf32, #tpu.memory_space<hbm>>) dst(%arg12 : memref<128x128xf32, #tpu.memory_space<vmem>>)
      "tpu.region"() ({
        %run_scoped3A = tpu.sem_alloc : memref<!tpu.dma_semaphore, #tpu.memory_space<semaphore_mem>>
        %dma_start3A_40 = arith.constant 0 : i32
        %dma_start3A_41 = arith.constant 0 : i32
        %dma_start3A_42 = tpu.memref_slice %arg13[%dma_start3A_40, %dma_start3A_41] : memref<10240x128xf32, #tpu.memory_space<vmem_shared>> -> memref<10240x128xf32, #tpu.memory_space<vmem_shared>>
        tpu.enqueue_indirect_dma source(%arg12 : memref<128x128xf32, #tpu.memory_space<vmem>>) target(%dma_start3A_42 : memref<10240x128xf32, #tpu.memory_space<vmem_shared>>) offsets(%arg10 : memref<128xi32, #tpu.memory_space<vmem>>) semaphore(%run_scoped3A : memref<!tpu.dma_semaphore, #tpu.memory_space<semaphore_mem>>) {add = true}
        %dma_wait3A_43 = arith.constant 0 : i32
        %dma_wait3A_44 = arith.constant 0 : i32
        %dma_wait3A_45 = tpu.memref_slice %arg13[%dma_wait3A_43, %dma_wait3A_44] : memref<10240x128xf32, #tpu.memory_space<vmem_shared>> -> memref<10240x128xf32, #tpu.memory_space<vmem_shared>>
        tpu.wait_indirect_dma semaphore(%run_scoped3A : memref<!tpu.dma_semaphore, #tpu.memory_space<semaphore_mem>>) src(%arg12 : memref<128x128xf32, #tpu.memory_space<vmem>>) dst(%dma_wait3A_45 : memref<10240x128xf32, #tpu.memory_space<vmem_shared>>)
        tpu.yield
      }) : () -> ()
    }
    %scan3A_12 = arith.constant 40 : i32
    %barrier3A_13 = arith.constant 0 : index
    tpu.barrier barrier_id(%barrier3A_13)
    %mul3A_14 = arith.constant 640 : i32
    %mul3A_15 = arith.muli %arg1, %mul3A_14 : i32
    %mul3A_16 = arith.constant 640 : i32
    %mul3A_17 = arith.muli %arg1, %mul3A_16 : i32
    "tpu.region"() ({
      %run_scoped3A = tpu.sem_alloc : memref<!tpu.dma_semaphore, #tpu.memory_space<semaphore_mem>>
      %dma_start3A_18 = arith.constant 0 : i32
      %dma_start3A_19 = tpu.memref_slice %arg6[%arg0, %mul3A_17, %dma_start3A_18] : memref<2x10240x128xf32, #tpu.memory_space<hbm>> -> memref<1x640x128xf32, #tpu.memory_space<hbm>>
      %dma_start3A_20 = tpu.memref_squeeze %dma_start3A_19 : memref<1x640x128xf32, #tpu.memory_space<hbm>> -> memref<640x128xf32, #tpu.memory_space<hbm>>
      %dma_start3A_21 = arith.constant 0 : i32
      %dma_start3A_22 = tpu.memref_slice %arg13[%mul3A_15, %dma_start3A_21] : memref<10240x128xf32, #tpu.memory_space<vmem_shared>> -> memref<640x128xf32, #tpu.memory_space<vmem_shared>>
      tpu.enqueue_dma source(%dma_start3A_22 : memref<640x128xf32, #tpu.memory_space<vmem_shared>>) target(%dma_start3A_20 : memref<640x128xf32, #tpu.memory_space<hbm>>) target_semaphore(%run_scoped3A : memref<!tpu.dma_semaphore, #tpu.memory_space<semaphore_mem>>)
      %dma_wait3A = arith.constant 0 : i32
      %dma_wait3A_23 = tpu.memref_slice %arg6[%arg0, %mul3A_17, %dma_wait3A] : memref<2x10240x128xf32, #tpu.memory_space<hbm>> -> memref<1x640x128xf32, #tpu.memory_space<hbm>>
      %dma_wait3A_24 = tpu.memref_squeeze %dma_wait3A_23 : memref<1x640x128xf32, #tpu.memory_space<hbm>> -> memref<640x128xf32, #tpu.memory_space<hbm>>
      %dma_wait3A_25 = arith.constant 0 : i32
      %dma_wait3A_26 = tpu.memref_slice %arg13[%mul3A_15, %dma_wait3A_25] : memref<10240x128xf32, #tpu.memory_space<vmem_shared>> -> memref<640x128xf32, #tpu.memory_space<vmem_shared>>
      tpu.wait_dma2 semaphore(%run_scoped3A : memref<!tpu.dma_semaphore, #tpu.memory_space<semaphore_mem>>) src(%dma_wait3A_26 : memref<640x128xf32, #tpu.memory_space<vmem_shared>>) dst(%dma_wait3A_24 : memref<640x128xf32, #tpu.memory_space<hbm>>)
      tpu.yield
    }) : () -> ()
    return
  }
}

module attributes {stable_mosaic.version = 14 : i64} {
  func.func @_prep_body(%arg0: i32, %arg1: memref<1000x128xf32, #tpu.memory_space<vmem>>, %arg2: memref<128x128xf32, #tpu.memory_space<vmem>>, %arg3: memref<1000x128xf32, #tpu.memory_space<vmem>>, %arg4: memref<1000x128xf32, #tpu.memory_space<vmem>>, %arg5: memref<1000x128xf32, #tpu.memory_space<vmem>>, %arg6: memref<1000x128xf32, #tpu.memory_space<vmem>>) attributes {dimension_semantics = [#tpu.dimension_semantics<arbitrary>], iteration_bounds = array<i64: 10>, scalar_prefetch = 0 : i64, scratch_operands = 0 : i64, tpu.core_type = #tpu.core_type<tc>, window_params = [{transform_indices = @transform_0, window_bounds = array<i64: 1000, 128>}, {pipeline_mode = #tpu.pipeline_mode<synchronous>, transform_indices = @transform_1, window_bounds = array<i64: 128, 128>}, {transform_indices = @transform_2, window_bounds = array<i64: 1000, 128>}, {transform_indices = @transform_3, window_bounds = array<i64: 1000, 128>}, {transform_indices = @transform_4, window_bounds = array<i64: 1000, 128>}, {transform_indices = @transform_5, window_bounds = array<i64: 1000, 128>}]} {
    %get3A = arith.constant 0 : index
    %get3A_0 = arith.constant 0 : index
    %get3A_1 = vector.load %arg3[%get3A, %get3A_0] : memref<1000x128xf32, #tpu.memory_space<vmem>>, vector<1000x128xf32>
    %get3A_2 = arith.constant 0 : index
    %get3A_3 = arith.constant 0 : index
    %get3A_4 = vector.load %arg4[%get3A_2, %get3A_3] : memref<1000x128xf32, #tpu.memory_space<vmem>>, vector<1000x128xf32>
    %add3A = arith.addf %get3A_1, %get3A_4 : vector<1000x128xf32>
    %add3A_5 = arith.constant 1.000000e+00 : f32
    %add3A_6 = vector.broadcast %add3A_5 : f32 to vector<1000x128xf32>
    %add3A_7 = arith.addf %add3A, %add3A_6 : vector<1000x128xf32>
    %rsqrt3A = math.rsqrt %add3A_7 : vector<1000x128xf32>
    %swap3A = arith.constant 0 : index
    %swap3A_8 = arith.constant 0 : index
    %swap3A_9 = vector.load %arg5[%swap3A, %swap3A_8] : memref<1000x128xf32, #tpu.memory_space<vmem>>, vector<1000x128xf32>
    tpu.vector_store %arg5[%swap3A, %swap3A_8], %rsqrt3A {strides = array<i32>} : memref<1000x128xf32, #tpu.memory_space<vmem>>, vector<1000x128xf32>,
    %get3A_10 = arith.constant 0 : index
    %get3A_11 = arith.constant 0 : index
    %get3A_12 = vector.load %arg1[%get3A_10, %get3A_11] : memref<1000x128xf32, #tpu.memory_space<vmem>>, vector<1000x128xf32>
    %get3A_13 = arith.constant 0 : index
    %get3A_14 = arith.constant 0 : index
    %get3A_15 = vector.load %arg2[%get3A_13, %get3A_14] : memref<128x128xf32, #tpu.memory_space<vmem>>, vector<128x128xf32>
    %dot_general3A = arith.constant dense<0.000000e+00> : vector<1000x128xf32>
    %dot_general3A_16 = tpu.matmul %get3A_12, %get3A_15, %dot_general3A {dimension_numbers = #tpu.dot_dimension_numbers<[1], [0], [0], [1], [0, 0, 1, 1], [], []>, transpose_lhs_hint = false} : vector<1000x128xf32>, vector<128x128xf32>, vector<1000x128xf32> -> vector<1000x128xf32>
    %mul3A = arith.mulf %rsqrt3A, %dot_general3A_16 : vector<1000x128xf32>
    %swap3A_17 = arith.constant 0 : index
    %swap3A_18 = arith.constant 0 : index
    %swap3A_19 = vector.load %arg6[%swap3A_17, %swap3A_18] : memref<1000x128xf32, #tpu.memory_space<vmem>>, vector<1000x128xf32>
    tpu.vector_store %arg6[%swap3A_17, %swap3A_18], %mul3A {strides = array<i32>} : memref<1000x128xf32, #tpu.memory_space<vmem>>, vector<1000x128xf32>,
    return
  }
  func.func @transform_0(%arg0: i32) -> (i32, i32) {
    %c0_i32 = arith.constant 0 : i32
    %c0_i32_0 = arith.constant 0 : i32
    return %arg0, %c0_i32 : i32, i32
  }
  func.func @transform_1(%arg0: i32) -> (i32, i32) {
    %c0_i32 = arith.constant 0 : i32
    %c0_i32_0 = arith.constant 0 : i32
    %c0_i32_1 = arith.constant 0 : i32
    return %c0_i32, %c0_i32_0 : i32, i32
  }
  func.func @transform_2(%arg0: i32) -> (i32, i32) {
    %c0_i32 = arith.constant 0 : i32
    %c0_i32_0 = arith.constant 0 : i32
    return %arg0, %c0_i32 : i32, i32
  }
  func.func @transform_3(%arg0: i32) -> (i32, i32) {
    %c0_i32 = arith.constant 0 : i32
    %c0_i32_0 = arith.constant 0 : i32
    return %arg0, %c0_i32 : i32, i32
  }
  func.func @transform_4(%arg0: i32) -> (i32, i32) {
    %c0_i32 = arith.constant 0 : i32
    %c0_i32_0 = arith.constant 0 : i32
    return %arg0, %c0_i32 : i32, i32
  }
  func.func @transform_5(%arg0: i32) -> (i32, i32) {
    %c0_i32 = arith.constant 0 : i32
    %c0_i32_0 = arith.constant 0 : i32
    return %arg0, %c0_i32 : i32, i32
  }
}

module attributes {stable_mosaic.version = 14 : i64} {
  func.func @_mid_body(%arg0: i32, %arg1: memref<1000x128xf32, #tpu.memory_space<vmem>>, %arg2: memref<1000x128xf32, #tpu.memory_space<vmem>>, %arg3: memref<1000x128xf32, #tpu.memory_space<vmem>>, %arg4: memref<1000x128xf32, #tpu.memory_space<vmem>>, %arg5: memref<1x128xf32, #tpu.memory_space<vmem>>, %arg6: memref<128x128xf32, #tpu.memory_space<vmem>>, %arg7: memref<1000x128xf32, #tpu.memory_space<vmem>>) attributes {dimension_semantics = [#tpu.dimension_semantics<arbitrary>], iteration_bounds = array<i64: 10>, scalar_prefetch = 0 : i64, scratch_operands = 0 : i64, tpu.core_type = #tpu.core_type<tc>, window_params = [{transform_indices = @transform_0, window_bounds = array<i64: 1000, 128>}, {transform_indices = @transform_1, window_bounds = array<i64: 1000, 128>}, {transform_indices = @transform_2, window_bounds = array<i64: 1000, 128>}, {transform_indices = @transform_3, window_bounds = array<i64: 1000, 128>}, {pipeline_mode = #tpu.pipeline_mode<synchronous>, transform_indices = @transform_4, window_bounds = array<i64: 1, 128>}, {pipeline_mode = #tpu.pipeline_mode<synchronous>, transform_indices = @transform_5, window_bounds = array<i64: 128, 128>}, {transform_indices = @transform_6, window_bounds = array<i64: 1000, 128>}]} {
    %get3A = arith.constant 0 : index
    %get3A_0 = arith.constant 0 : index
    %get3A_1 = vector.load %arg4[%get3A, %get3A_0] : memref<1000x128xf32, #tpu.memory_space<vmem>>, vector<1000x128xf32>
    %get3A_2 = arith.constant 0 : index
    %get3A_3 = arith.constant 0 : index
    %get3A_4 = vector.load %arg1[%get3A_2, %get3A_3] : memref<1000x128xf32, #tpu.memory_space<vmem>>, vector<1000x128xf32>
    %get3A_5 = arith.constant 0 : index
    %get3A_6 = arith.constant 0 : index
    %get3A_7 = vector.load %arg2[%get3A_5, %get3A_6] : memref<1000x128xf32, #tpu.memory_space<vmem>>, vector<1000x128xf32>
    %add3A = arith.addf %get3A_4, %get3A_7 : vector<1000x128xf32>
    %get3A_8 = arith.constant 0 : index
    %get3A_9 = arith.constant 0 : index
    %get3A_10 = vector.load %arg3[%get3A_8, %get3A_9] : memref<1000x128xf32, #tpu.memory_space<vmem>>, vector<1000x128xf32>
    %add3A_11 = arith.addf %add3A, %get3A_10 : vector<1000x128xf32>
    %mul3A = arith.mulf %get3A_1, %add3A_11 : vector<1000x128xf32>
    %get3A_12 = arith.constant 0 : index
    %get3A_13 = arith.constant 0 : index
    %get3A_14 = vector.load %arg5[%get3A_12, %get3A_13] : memref<1x128xf32, #tpu.memory_space<vmem>>, vector<1x128xf32>
    %add3A_15 = vector.broadcast %get3A_14 : vector<1x128xf32> to vector<1000x128xf32>
    %add3A_16 = arith.addf %mul3A, %add3A_15 : vector<1000x128xf32>
    %max3A = arith.constant 0.000000e+00 : f32
    %max3A_17 = vector.broadcast %max3A : f32 to vector<1000x128xf32>
    %max3A_18 = arith.maximumf %add3A_16, %max3A_17 : vector<1000x128xf32>
    %get3A_19 = arith.constant 0 : index
    %get3A_20 = arith.constant 0 : index
    %get3A_21 = vector.load %arg6[%get3A_19, %get3A_20] : memref<128x128xf32, #tpu.memory_space<vmem>>, vector<128x128xf32>
    %dot_general3A = arith.constant dense<0.000000e+00> : vector<1000x128xf32>
    %dot_general3A_22 = tpu.matmul %max3A_18, %get3A_21, %dot_general3A {dimension_numbers = #tpu.dot_dimension_numbers<[1], [0], [0], [1], [0, 0, 1, 1], [], []>, transpose_lhs_hint = false} : vector<1000x128xf32>, vector<128x128xf32>, vector<1000x128xf32> -> vector<1000x128xf32>
    %mul3A_23 = arith.mulf %get3A_1, %dot_general3A_22 : vector<1000x128xf32>
    %swap3A = arith.constant 0 : index
    %swap3A_24 = arith.constant 0 : index
    %swap3A_25 = vector.load %arg7[%swap3A, %swap3A_24] : memref<1000x128xf32, #tpu.memory_space<vmem>>, vector<1000x128xf32>
    tpu.vector_store %arg7[%swap3A, %swap3A_24], %mul3A_23 {strides = array<i32>} : memref<1000x128xf32, #tpu.memory_space<vmem>>, vector<1000x128xf32>,
    return
  }
  func.func @transform_0(%arg0: i32) -> (i32, i32) {
    %c0_i32 = arith.constant 0 : i32
    %c0_i32_0 = arith.constant 0 : i32
    return %arg0, %c0_i32 : i32, i32
  }
  func.func @transform_1(%arg0: i32) -> (i32, i32) {
    %c0_i32 = arith.constant 0 : i32
    %c0_i32_0 = arith.constant 0 : i32
    return %arg0, %c0_i32 : i32, i32
  }
  func.func @transform_2(%arg0: i32) -> (i32, i32) {
    %c0_i32 = arith.constant 0 : i32
    %c0_i32_0 = arith.constant 0 : i32
    return %arg0, %c0_i32 : i32, i32
  }
  func.func @transform_3(%arg0: i32) -> (i32, i32) {
    %c0_i32 = arith.constant 0 : i32
    %c0_i32_0 = arith.constant 0 : i32
    return %arg0, %c0_i32 : i32, i32
  }
  func.func @transform_4(%arg0: i32) -> (i32, i32) {
    %c0_i32 = arith.constant 0 : i32
    %c0_i32_0 = arith.constant 0 : i32
    %c0_i32_1 = arith.constant 0 : i32
    return %c0_i32, %c0_i32_0 : i32, i32
  }
  func.func @transform_5(%arg0: i32) -> (i32, i32) {
    %c0_i32 = arith.constant 0 : i32
    %c0_i32_0 = arith.constant 0 : i32
    %c0_i32_1 = arith.constant 0 : i32
    return %c0_i32, %c0_i32_0 : i32, i32
  }
  func.func @transform_6(%arg0: i32) -> (i32, i32) {
    %c0_i32 = arith.constant 0 : i32
    %c0_i32_0 = arith.constant 0 : i32
    return %arg0, %c0_i32 : i32, i32
  }
}

module attributes {stable_mosaic.version = 14 : i64} {
  func.func @_final_body(%arg0: i32, %arg1: memref<1000x128xf32, #tpu.memory_space<vmem>>, %arg2: memref<1000x128xf32, #tpu.memory_space<vmem>>, %arg3: memref<1000x128xf32, #tpu.memory_space<vmem>>, %arg4: memref<1000x128xf32, #tpu.memory_space<vmem>>, %arg5: memref<1x128xf32, #tpu.memory_space<vmem>>, %arg6: memref<1x1x1000xi32, #tpu.memory_space<vmem>>, %arg7: memref<128x128xf32, #tpu.memory_space<vmem>>, %arg8: memref<1x128xf32, #tpu.memory_space<vmem>>, %arg9: memref<64x128xf32, #tpu.memory_space<vmem>>, %arg10: memref<64x128xf32, #tpu.memory_space<vmem>>, %arg11: memref<64x128xf32, #tpu.memory_space<vmem>>) attributes {dimension_semantics = [#tpu.dimension_semantics<arbitrary>], iteration_bounds = array<i64: 10>, scalar_prefetch = 0 : i64, scratch_operands = 2 : i64, tpu.core_type = #tpu.core_type<tc>, window_params = [{transform_indices = @transform_0, window_bounds = array<i64: 1000, 128>}, {transform_indices = @transform_1, window_bounds = array<i64: 1000, 128>}, {transform_indices = @transform_2, window_bounds = array<i64: 1000, 128>}, {transform_indices = @transform_3, window_bounds = array<i64: 1000, 128>}, {pipeline_mode = #tpu.pipeline_mode<synchronous>, transform_indices = @transform_4, window_bounds = array<i64: 1, 128>}, {transform_indices = @transform_5, window_bounds = array<i64: 1, 1, 1000>}, {pipeline_mode = #tpu.pipeline_mode<synchronous>, transform_indices = @transform_6, window_bounds = array<i64: 128, 128>}, {pipeline_mode = #tpu.pipeline_mode<synchronous>, transform_indices = @transform_7, window_bounds = array<i64: 1, 128>}, {pipeline_mode = #tpu.pipeline_mode<synchronous>, transform_indices = @transform_8, window_bounds = array<i64: 64, 128>}]} {
    %eq3A = arith.constant 0 : i32
    %eq3A_0 = arith.cmpi eq, %arg0, %eq3A : i32
    %convert_element_type3A = arith.extui %eq3A_0 : i1 to i32
    %cond3A = arith.constant 0 : i32
    %cond3A_1 = arith.cmpi ne, %convert_element_type3A, %cond3A : i32
    scf.if %cond3A_1 {
      %broadcast_in_dim3A_54 = arith.constant 0.000000e+00 : f32
      %broadcast_in_dim3A_55 = vector.broadcast %broadcast_in_dim3A_54 : f32 to vector<64x128xf32>
      %swap3A_56 = arith.constant 0 : index
      %swap3A_57 = arith.constant 0 : index
      %swap3A_58 = vector.load %arg10[%swap3A_56, %swap3A_57] : memref<64x128xf32, #tpu.memory_space<vmem>>, vector<64x128xf32>
      tpu.vector_store %arg10[%swap3A_56, %swap3A_57], %broadcast_in_dim3A_55 {strides = array<i32>} : memref<64x128xf32, #tpu.memory_space<vmem>>, vector<64x128xf32>,
      %broadcast_in_dim3A_59 = arith.constant 0.000000e+00 : f32
      %broadcast_in_dim3A_60 = vector.broadcast %broadcast_in_dim3A_59 : f32 to vector<64x128xf32>
      %swap3A_61 = arith.constant 0 : index
      %swap3A_62 = arith.constant 0 : index
      %swap3A_63 = vector.load %arg11[%swap3A_61, %swap3A_62] : memref<64x128xf32, #tpu.memory_space<vmem>>, vector<64x128xf32>
      tpu.vector_store %arg11[%swap3A_61, %swap3A_62], %broadcast_in_dim3A_60 {strides = array<i32>} : memref<64x128xf32, #tpu.memory_space<vmem>>, vector<64x128xf32>,
    } else {
    }
    %get3A = arith.constant 0 : index
    %get3A_2 = arith.constant 0 : index
    %get3A_3 = vector.load %arg4[%get3A, %get3A_2] : memref<1000x128xf32, #tpu.memory_space<vmem>>, vector<1000x128xf32>
    %get3A_4 = arith.constant 0 : index
    %get3A_5 = arith.constant 0 : index
    %get3A_6 = vector.load %arg1[%get3A_4, %get3A_5] : memref<1000x128xf32, #tpu.memory_space<vmem>>, vector<1000x128xf32>
    %get3A_7 = arith.constant 0 : index
    %get3A_8 = arith.constant 0 : index
    %get3A_9 = vector.load %arg2[%get3A_7, %get3A_8] : memref<1000x128xf32, #tpu.memory_space<vmem>>, vector<1000x128xf32>
    %add3A = arith.addf %get3A_6, %get3A_9 : vector<1000x128xf32>
    %get3A_10 = arith.constant 0 : index
    %get3A_11 = arith.constant 0 : index
    %get3A_12 = vector.load %arg3[%get3A_10, %get3A_11] : memref<1000x128xf32, #tpu.memory_space<vmem>>, vector<1000x128xf32>
    %add3A_13 = arith.addf %add3A, %get3A_12 : vector<1000x128xf32>
    %mul3A = arith.mulf %get3A_3, %add3A_13 : vector<1000x128xf32>
    %get3A_14 = arith.constant 0 : index
    %get3A_15 = arith.constant 0 : index
    %get3A_16 = vector.load %arg5[%get3A_14, %get3A_15] : memref<1x128xf32, #tpu.memory_space<vmem>>, vector<1x128xf32>
    %add3A_17 = vector.broadcast %get3A_16 : vector<1x128xf32> to vector<1000x128xf32>
    %add3A_18 = arith.addf %mul3A, %add3A_17 : vector<1000x128xf32>
    %max3A = arith.constant 0.000000e+00 : f32
    %max3A_19 = vector.broadcast %max3A : f32 to vector<1000x128xf32>
    %max3A_20 = arith.maximumf %add3A_18, %max3A_19 : vector<1000x128xf32>
    %get3A_21 = arith.constant 0 : index
    %get3A_22 = arith.constant 0 : index
    %get3A_23 = arith.constant 0 : index
    %get3A_24 = vector.load %arg6[%get3A_21, %get3A_22, %get3A_23] : memref<1x1x1000xi32, #tpu.memory_space<vmem>>, vector<1x1x1000xi32>
    %get3A_25 = vector.shape_cast %get3A_24 : vector<1x1x1000xi32> to vector<1000xi32>
    %iota3A = tpu.iota {dimensions = array<i32: 0>} : vector<64x1000xi32>
    %broadcast_in_dim3A = vector.shape_cast %get3A_25 : vector<1000xi32> to vector<1x1000xi32>
    %eq3A_26 = vector.broadcast %broadcast_in_dim3A : vector<1x1000xi32> to vector<64x1000xi32>
    %eq3A_27 = arith.cmpi eq, %eq3A_26, %iota3A : vector<64x1000xi32>
    %jit3A = arith.constant 1.000000e+00 : f32
    %jit3A_28 = arith.constant 0.000000e+00 : f32
    %broadcast_in_dim3A_29 = vector.broadcast %jit3A : f32 to vector<64x1000xf32>
    %broadcast_in_dim3A_30 = vector.broadcast %jit3A_28 : f32 to vector<64x1000xf32>
    %select_n3A = arith.select %eq3A_27, %broadcast_in_dim3A_29, %broadcast_in_dim3A_30 : vector<64x1000xi1>, vector<64x1000xf32>
    %get3A_31 = arith.constant 0 : index
    %get3A_32 = arith.constant 0 : index
    %get3A_33 = vector.load %arg10[%get3A_31, %get3A_32] : memref<64x128xf32, #tpu.memory_space<vmem>>, vector<64x128xf32>
    %dot_general3A = arith.constant dense<0.000000e+00> : vector<64x128xf32>
    %dot_general3A_34 = tpu.matmul %select_n3A, %max3A_20, %dot_general3A {dimension_numbers = #tpu.dot_dimension_numbers<[1], [0], [0], [1], [0, 0, 1, 1], [], []>, transpose_lhs_hint = false} : vector<64x1000xf32>, vector<1000x128xf32>, vector<64x128xf32> -> vector<64x128xf32>
    %add3A_35 = arith.addf %get3A_33, %dot_general3A_34 : vector<64x128xf32>
    %swap3A = arith.constant 0 : index
    %swap3A_36 = arith.constant 0 : index
    %swap3A_37 = vector.load %arg10[%swap3A, %swap3A_36] : memref<64x128xf32, #tpu.memory_space<vmem>>, vector<64x128xf32>
    tpu.vector_store %arg10[%swap3A, %swap3A_36], %add3A_35 {strides = array<i32>} : memref<64x128xf32, #tpu.memory_space<vmem>>, vector<64x128xf32>,
    %get3A_38 = arith.constant 0 : index
    %get3A_39 = arith.constant 0 : index
    %get3A_40 = vector.load %arg11[%get3A_38, %get3A_39] : memref<64x128xf32, #tpu.memory_space<vmem>>, vector<64x128xf32>
    %broadcast_in_dim3A_41 = arith.constant 1.000000e+00 : f32
    %broadcast_in_dim3A_42 = vector.broadcast %broadcast_in_dim3A_41 : f32 to vector<1000x128xf32>
    %dot_general3A_43 = arith.constant dense<0.000000e+00> : vector<64x128xf32>
    %dot_general3A_44 = tpu.matmul %select_n3A, %broadcast_in_dim3A_42, %dot_general3A_43 {dimension_numbers = #tpu.dot_dimension_numbers<[1], [0], [0], [1], [0, 0, 1, 1], [], []>, transpose_lhs_hint = false} : vector<64x1000xf32>, vector<1000x128xf32>, vector<64x128xf32> -> vector<64x128xf32>
    %add3A_45 = arith.addf %get3A_40, %dot_general3A_44 : vector<64x128xf32>
    %swap3A_46 = arith.constant 0 : index
    %swap3A_47 = arith.constant 0 : index
    %swap3A_48 = vector.load %arg11[%swap3A_46, %swap3A_47] : memref<64x128xf32, #tpu.memory_space<vmem>>, vector<64x128xf32>
    tpu.vector_store %arg11[%swap3A_46, %swap3A_47], %add3A_45 {strides = array<i32>} : memref<64x128xf32, #tpu.memory_space<vmem>>, vector<64x128xf32>,
    %eq3A_49 = arith.constant 9 : i32
    %eq3A_50 = arith.cmpi eq, %arg0, %eq3A_49 : i32
    %convert_element_type3A_51 = arith.extui %eq3A_50 : i1 to i32
    %cond3A_52 = arith.constant 0 : i32
    %cond3A_53 = arith.cmpi ne, %convert_element_type3A_51, %cond3A_52 : i32
    scf.if %cond3A_53 {
      %get3A_54 = arith.constant 0 : index
      %get3A_55 = arith.constant 0 : index
      %get3A_56 = vector.load %arg10[%get3A_54, %get3A_55] : memref<64x128xf32, #tpu.memory_space<vmem>>, vector<64x128xf32>
      %get3A_57 = arith.constant 0 : index
      %get3A_58 = arith.constant 0 : index
      %get3A_59 = vector.load %arg11[%get3A_57, %get3A_58] : memref<64x128xf32, #tpu.memory_space<vmem>>, vector<64x128xf32>
      %max3A_60 = arith.constant 1.000000e+00 : f32
      %max3A_61 = vector.broadcast %max3A_60 : f32 to vector<64x128xf32>
      %max3A_62 = arith.maximumf %get3A_59, %max3A_61 : vector<64x128xf32>
      %div3A = arith.divf %get3A_56, %max3A_62 : vector<64x128xf32>
      %get3A_63 = arith.constant 0 : index
      %get3A_64 = arith.constant 0 : index
      %get3A_65 = vector.load %arg7[%get3A_63, %get3A_64] : memref<128x128xf32, #tpu.memory_space<vmem>>, vector<128x128xf32>
      %dot_general3A_66 = arith.constant dense<0.000000e+00> : vector<64x128xf32>
      %dot_general3A_67 = tpu.matmul %div3A, %get3A_65, %dot_general3A_66 {dimension_numbers = #tpu.dot_dimension_numbers<[1], [0], [0], [1], [0, 0, 1, 1], [], []>, transpose_lhs_hint = false} : vector<64x128xf32>, vector<128x128xf32>, vector<64x128xf32> -> vector<64x128xf32>
      %get3A_68 = arith.constant 0 : index
      %get3A_69 = arith.constant 0 : index
      %get3A_70 = vector.load %arg8[%get3A_68, %get3A_69] : memref<1x128xf32, #tpu.memory_space<vmem>>, vector<1x128xf32>
      %add3A_71 = vector.broadcast %get3A_70 : vector<1x128xf32> to vector<64x128xf32>
      %add3A_72 = arith.addf %dot_general3A_67, %add3A_71 : vector<64x128xf32>
      %swap3A_73 = arith.constant 0 : index
      %swap3A_74 = arith.constant 0 : index
      %swap3A_75 = vector.load %arg9[%swap3A_73, %swap3A_74] : memref<64x128xf32, #tpu.memory_space<vmem>>, vector<64x128xf32>
      tpu.vector_store %arg9[%swap3A_73, %swap3A_74], %add3A_72 {strides = array<i32>} : memref<64x128xf32, #tpu.memory_space<vmem>>, vector<64x128xf32>,
    } else {
    }
    return
  }
  func.func @transform_0(%arg0: i32) -> (i32, i32) {
    %c0_i32 = arith.constant 0 : i32
    %c0_i32_0 = arith.constant 0 : i32
    return %arg0, %c0_i32 : i32, i32
  }
  func.func @transform_1(%arg0: i32) -> (i32, i32) {
    %c0_i32 = arith.constant 0 : i32
    %c0_i32_0 = arith.constant 0 : i32
    return %arg0, %c0_i32 : i32, i32
  }
  func.func @transform_2(%arg0: i32) -> (i32, i32) {
    %c0_i32 = arith.constant 0 : i32
    %c0_i32_0 = arith.constant 0 : i32
    return %arg0, %c0_i32 : i32, i32
  }
  func.func @transform_3(%arg0: i32) -> (i32, i32) {
    %c0_i32 = arith.constant 0 : i32
    %c0_i32_0 = arith.constant 0 : i32
    return %arg0, %c0_i32 : i32, i32
  }
  func.func @transform_4(%arg0: i32) -> (i32, i32) {
    %c0_i32 = arith.constant 0 : i32
    %c0_i32_0 = arith.constant 0 : i32
    %c0_i32_1 = arith.constant 0 : i32
    return %c0_i32, %c0_i32_0 : i32, i32
  }
  func.func @transform_5(%arg0: i32) -> (i32, i32, i32) {
    %c0_i32 = arith.constant 0 : i32
    %c0_i32_0 = arith.constant 0 : i32
    %c0_i32_1 = arith.constant 0 : i32
    return %arg0, %c0_i32, %c0_i32_0 : i32, i32, i32
  }
  func.func @transform_6(%arg0: i32) -> (i32, i32) {
    %c0_i32 = arith.constant 0 : i32
    %c0_i32_0 = arith.constant 0 : i32
    %c0_i32_1 = arith.constant 0 : i32
    return %c0_i32, %c0_i32_0 : i32, i32
  }
  func.func @transform_7(%arg0: i32) -> (i32, i32) {
    %c0_i32 = arith.constant 0 : i32
    %c0_i32_0 = arith.constant 0 : i32
    %c0_i32_1 = arith.constant 0 : i32
    return %c0_i32, %c0_i32_0 : i32, i32
  }
  func.func @transform_8(%arg0: i32) -> (i32, i32) {
    %c0_i32 = arith.constant 0 : i32
    %c0_i32_0 = arith.constant 0 : i32
    %c0_i32_1 = arith.constant 0 : i32
    return %c0_i32, %c0_i32_0 : i32, i32
  }
}

</mosaic_0001>

<sc_bundles>
// kernel: kernel.10.cloned.1.call-start
scs
__scs_entry_jumppad:
0x0: {  	(pc) =	sbr.rel $0x88, $3  }
0x1: {  	(tag) =	ssettag $0x0;
	lr =	simm.s32 $0x1  }
0x2: {  	[smem:$0x3F96] =	sst lr;
	_ =	strace $0xD0000000  }
0x3: {  	_ = 	snop  }
0x4: {  	_ = 	snop  }
0x5: {  	_ = 	snop  }
0x6: {  	_ = 	snop  }
0x7: {  	_ = 	snop  }
__scs_overlays_trampoline_lowered:
0x8: {  	[smem:$0x3FA5] =	sst s0  }
0x9: {  	[smem:$0x3FA6] =	sst s1  }
0xa: {  	[smem:$0x3FA7] =	sst s2  }
0xb: {  	[smem:$0x3FA8] =	sst s3  }
0xc: {  	[smem:$0x3FA9] =	sst s4  }
0xd: {  	[smem:$0x3FAA] =	sst s5  }
0xe: {  	[smem:$0x3FAB] =	sst s6  }
0xf: {  	[smem:$0x3FAC] =	sst s7  }
0x10: {  	[smem:$0x3FAD] =	sst s8  }
0x11: {  	[smem:$0x3FAE] =	sst s9;
	s0 =	simm.s32 @!p0 $0x0  }
0x12: {  	s1 =	sld [smem:$0x3F94];
	s0 =	simm.s32 @p0 $0x1  }
0x13: {  	[smem:$0x3FAF] =	sst s0;
	s0 =	simm.s32 @!p1 $0x0  }
0x14: {  	s2 =	sld [smem:$0x3F93];
	s0 =	simm.s32 @p1 $0x1  }
0x15: {  	[smem:$0x3FB0] =	sst s0;
	s0 =	simm.s32 @!p2 $0x0  }
0x16: {  	s3 =	sld [smem:$0x3FDB];
	s0 =	simm.s32 @p2 $0x1  }
0x17: {  	s4 =	simm.s32 $0x1BF5;
	[smem:$0x3FB2] =	sst s0  }
0x18: {  	s0 =	sld [smem:$0x3F95];
	_ =	swait.ge [sflag:s4], $0x0  }
0x19: {  	s7 =	sld [smem:$0x3F96]  }
0x1a: {  	s8 =	sadd.s32 $0xFFFFE003, lr  }
0x1b: {  	s9 =	sadd.s32 $0xFFFFFEF7, lr;
	s5 =	simm.s32 $0xFFFFFFFF;
	p2 =	slt.u32 s8, $0xFFFFF086  }
0x1c: {  	p1 =	slt.u32 s9, $0xF7A;
	s5 =	simm.s32 @!p2 $0x0  }
0x1d: {  	s5 =	simm.s32 @p1 $0x1;
	p0 =	seq.s32 s7, s2  }
0x1e: {  	s7 =	smul.u32 @!p0 $0xF7A, s2;
	p2 =	seq.s32 @!p0 s5, $0x0  }
0x1f: {  	s9 =	smul.u32 $0xF7A, s1;
	s8 =	simm.s32 @!p0 $0x1BF5;
	p2 =	por !p2, p0  }
0x20: {  	[sflag:s8] =	ssyncset.s32 @!p0 $0xFFFFF086;
	s6 =	sadd.s32 @!p0 s3, s7;
	s7 =	simm.s32 @!p0 $0x108  }
0x21: {  	s3 =	sadd.s32 s3, s9;
	s6 =	sadd.s32 @!p0 $0x88, s6;
	s7 =	simm.s32 @p2 $0x1082  }
0x22: {  	[simem:s7], [sflag:s8] =	dma.local @!p0 [hbm:s6], $0xF7A  }
0x23: {  	s9 =	sor.u32 $0xD0000000, s2;
	s6 =	simm.s32 $0x108;
	_ =	swait.ge @!p0 [sflag:s8], $0x0  }
0x24: {  	s3 =	sadd.s32 $0x88, s3;
	s6 =	simm.s32 @!p1 $0x1082;
	[sflag:s4] =	ssyncset.s32 $0xFFFFF086  }
0x25: {  	[simem:s6], [sflag:s4] =	dma.local [hbm:s3], $0xF7A  }
0x26: {  	[smem:$0x3F96] =	sst s1;
	(tag) =	ssettag s2;
	_ =	strace s9  }
0x27: {  	s1 =	sld [smem:$0x3FA6]  }
0x28: {  	s2 =	sld [smem:$0x3FA7]  }
0x29: {  	s4 =	sld [smem:$0x3FA9]  }
0x2a: {  	p0 =	seq.s32 s5, $0x0;
	s5 =	sld [smem:$0x3FAA]  }
0x2b: {  	s6 =	sld [smem:$0x3FAB]  }
0x2c: {  	s7 =	sld [smem:$0x3FAC]  }
0x2d: {  	s3 =	simm.s32 $0x108;
	s8 =	sld [smem:$0x3FAD]  }
0x2e: {  	s3 =	simm.s32 @!p0 $0x1082;
	s9 =	sld [smem:$0x3FAE]  }
0x2f: {  	lr =	sadd.s32 s0, s3;
	s0 =	sld [smem:$0x3FA5]  }
0x30: {  	s3 =	sld [smem:$0x3FA8]  }
0x31: {  	[smem:$0x3FB1] =	sst s10  }
0x32: {  	s10 =	sld [smem:$0x3FAF];
	_ =	sdelay $0x3  }
0x33: {  	p0 =	seq.s32 s10, $0x1;
	s10 =	sld [smem:$0x3FB1];
	_ =	sdelay $0x3  }
0x34: {  	[smem:$0x3FB1] =	sst s10  }
0x35: {  	s10 =	sld [smem:$0x3FB0];
	_ =	sdelay $0x3  }
0x36: {  	p1 =	seq.s32 s10, $0x1;
	s10 =	sld [smem:$0x3FB1];
	_ =	sdelay $0x3  }
0x37: {  	[smem:$0x3FB1] =	sst s10  }
0x38: {  	s10 =	sld [smem:$0x3FB2]  }
0x39: {  	_ = 	snop;
	(pc) =	sbr.ind lr, $3  }
0x3a: {  	_ = 	snop  }
0x3b: {  	_ = 	snop  }
0x3c: {  	p2 =	seq.s32 s10, $0x1;
	s10 =	sld [smem:$0x3FB1]  }
0x3d: {  	_ =	shalt  }
0x3e: {  	_ =	shalt  }
0x3f: {  	_ =	shalt  }
0x40: {  	_ =	shalt  }
0x41: {  	_ =	shalt  }
0x42: {  	_ =	shalt  }
0x43: {  	_ =	shalt  }
0x44: {  	_ =	shalt  }
0x45: {  	_ =	shalt  }
0x46: {  	_ =	shalt  }
0x47: {  	_ =	shalt  }
0x48: {  	_ =	shalt  }
0x49: {  	_ =	shalt  }
0x4a: {  	_ =	shalt  }
0x4b: {  	_ =	shalt  }
0x4c: {  	_ =	shalt  }
0x4d: {  	_ =	shalt  }
0x4e: {  	_ =	shalt  }
0x4f: {  	_ =	shalt  }
0x50: {  	_ =	shalt  }
0x51: {  	_ =	shalt  }
0x52: {  	_ =	shalt  }
0x53: {  	_ =	shalt  }
0x54: {  	_ =	shalt  }
0x55: {  	_ =	shalt  }
0x56: {  	_ =	shalt  }
0x57: {  	_ =	shalt  }
0x58: {  	_ =	shalt  }
0x59: {  	_ =	shalt  }
0x5a: {  	_ =	shalt  }
0x5b: {  	_ =	shalt  }
0x5c: {  	_ =	shalt  }
0x5d: {  	_ =	shalt  }
0x5e: {  	_ =	shalt  }
0x5f: {  	_ =	shalt  }
0x60: {  	_ =	shalt  }
0x61: {  	_ =	shalt  }
0x62: {  	_ =	shalt  }
0x63: {  	_ =	shalt  }
0x64: {  	_ =	shalt  }
0x65: {  	_ =	shalt  }
0x66: {  	_ =	shalt  }
0x67: {  	_ =	shalt  }
0x68: {  	_ =	shalt  }
0x69: {  	_ =	shalt  }
0x6a: {  	_ =	shalt  }
0x6b: {  	_ =	shalt  }
0x6c: {  	_ =	shalt  }
0x6d: {  	_ =	shalt  }
0x6e: {  	_ =	shalt  }
0x6f: {  	_ =	shalt  }
0x70: {  	_ =	shalt  }
0x71: {  	_ =	shalt  }
0x72: {  	_ =	shalt  }
0x73: {  	_ =	shalt  }
0x74: {  	_ =	shalt  }
0x75: {  	_ =	shalt  }
0x76: {  	_ =	shalt  }
0x77: {  	_ =	shalt  }
0x78: {  	_ =	shalt  }
0x79: {  	_ =	shalt  }
0x7a: {  	_ =	shalt  }
0x7b: {  	_ =	shalt  }
0x7c: {  	_ =	shalt  }
0x7d: {  	_ =	shalt  }
0x7e: {  	_ =	shalt  }
0x7f: {  	_ =	shalt  }
0x80: {  	_ =	shalt  }
0x81: {  	_ =	shalt  }
0x82: {  	_ =	shalt  }
0x83: {  	_ =	shalt  }
0x84: {  	_ =	shalt  }
0x85: {  	_ =	shalt  }
0x86: {  	_ =	shalt  }
0x87: {  	_ =	shalt  }
.Lfunc_end0:
.L_simem_size_0:
called_computation_lowered:
.L_overlay_start_0:
0x88: {  	s2 =	sld [smem:$0x3FD9]  }
0x89: {  	s3 =	sld [smem:$0x3FFE];
	_ =	sdelay $0x1  }
0x8a: {  	s1 =	srdreg.scid  }
0x8b: {  	s0 =	sand.u32 $0x1, s1  }
0x8c: {  	s16 =	sshll.u32 s0, $0xA;
	s2 =	sadd.s32 s3, s2  }
0x8d: {  	s2 =	sadd.s32 s2, s16  }
0x8e: {  	[smem:$0x3FBD] =	sst s2  }
0x8f: {  	_ = 	snop  }
0x90: {  	(tm) =	ssettm $0x1  }
0x91: {  	s17 =	sld [smem:$0x3FFB];
	_ =	sdelay $0x3  }
0x92: {  	_ =	strace s17  }
0x93: {  	s2 =	sld [smem:$0x3FFC];
	_ =	sdelay $0x3  }
0x94: {  	_ =	strace s2  }
0x95: {  	s2 =	sld [smem:$0x3FFD];
	_ =	sdelay $0x3  }
0x96: {  	_ =	strace s2  }
0x97: {  	_ =	strace $0x8FFFFFFF  }
0x98: {  	s18 =	sld [smem:$0x3FDB];
	_ =	sdelay $0x1  }
0x99: {  	s19 =	simm.s32 $_scs_section_size  }
0x9a: {  	s4 =	simm.s32 $_size__tile_overlayer_lowered;
	s5 =	simm.s32 $_tile_overlayer_lowered  }
0x9b: {  	s22 =	simm.s32 $0x1BFF;
	s21 =	sshll.u32 s5, $0x1;
	s2 =	sadd.s32 s19, s18  }
0x9c: {  	s6 =	simm.s32 $0x0;
	s20 =	sshll.u32 s4, $0x1;
	s4 =	sadd.s32 s21, s2  }
0x9d: {  	[timem:s6], [sflag:s22] =	dma.local [hbm:s4], s20  }
0x9e: {  	_ =	swait.ge [sflag:s22], s20  }
0x9f: {  	s3 =	ssub.s32 $0x0, s20;
	[sflag:s22] =	ssyncset.done $0x0  }
0xa0: {  	[sflag:s22] =	ssyncadd.s32 s3;
	_ =	sdelay $0x1  }
0xa1: {  	s23 =	simm.s32 $0x1B8B  }
0xa2: {  	_ =	swait.ge [sflag:s23], $0x1  }
0xa3: {  	[sflag:s23] =	ssyncset.done $0x0  }
0xa4: {  	s25 =	simm.s32 $0x1B8E;
	s24 =	sld [smem:$0x3FFE];
	[sflag:s23] =	ssyncadd.s32 $0xFFFFFFFF  }
0xa5: {  	s26 =	simm.s32 $execute0_lowered;
	[smem:$0x3FD2] =	sst s25  }
0xa6: {  	s4 =	sshll.u32 s26, $0x1;
	_ =	strace $0x80000046;
	[dreg:$0x1] =	wrdreg $0xFFFFFFFF  }
0xa7: {  	s28 =	simm.s32 $_size_execute0_lowered;
	s2 =	sadd.s32 s2, s4;
	[dreg:$0x0] =	wrdreg $0x0  }
0xa8: {  	s4 =	sshll.u32 s28, $0x1;
	[dreg:$0x2] =	wrdreg s2  }
0xa9: {  	[dreg:$0x3] =	wrdreg s4  }
0xaa: {  	[dreg:$0x4] =	wrdreg $0xC0  }
0xab: {  	_ =	task [dreg:s6], $0x5FFFF  }
0xac: {  	[dreg:$0x1] =	wrdreg $0xFFFFFFFF  }
0xad: {  	[dreg:$0x0] =	wrdreg $0x60  }
0xae: {  	[dreg:$0x2] =	wrdreg s24  }
0xaf: {  	[dreg:$0x3] =	wrdreg $0x40800  }
0xb0: {  	[dreg:$0x4] =	wrdreg $0x9  }
0xb1: {  	_ =	task.clear_ibuf [dreg:s6], $0x5FFFF;
	_ =	strace $0x90000046  }
0xb2: {  	s29 =	simm.s32 $0x9;
	_ =	strace $0x80000048  }
0xb3: {  	_ =	swait.ge [sflag:s29], $0x1  }
0xb4: {  	[sflag:s29] =	ssyncadd.s32 $0xFFFFFFFF  }
0xb5: {  	_ =	strace $0x90000048  }
0xb6: {  	_ =	sfence  }
0xb7: {  	s30 =	sld [smem:$0x0];
	_ =	sdelay $0x2  }
0xb8: {  	s31 =	sshll.u32 s1, $0xD;
	s1 =	sshrl.u32 s1, $0x2  }
0xb9: {  	s3 =	sand.u32 $0x4000, s31;
	s1 =	sadd.s32 s1, s30  }
0xba: {  	s0 =	sor.u32 s3, s0;
	s1 =	sshll.u32 s1, $0x11  }
0xbb: {  	s0 =	sor.u32 s1, s0  }
0xbc: {  	s0 =	sadd.s32 $0x8F2B, s0  }
0xbd: {  	[sflag:s0] =	ssyncadd.remote.s32 $0x1  }
0xbe: {  	_ =	sfence.sel $0xFFFF  }
0xbf: {  	[dreg:$0x0] =	wrdreg $0xFFFFFFFF;
	(pc) =	sbr.abs _section_cstart, $3  }
0xc0: {  	[dreg:$0x1] =	wrdreg $0xFFFFFFFF  }
0xc1: {  	_ =	task.clear_ibuf [dreg:s6], $0x2FFFF;
	_ =	strace $0x9FFFFFFF  }
0xc2: {  	(tm) =	ssettm $0x7FFFFFFF  }
0xc3: {  	_ =	shalt  }
tec
execute0_lowered:
.L_overlay_start_1:
0x0: {  	(tag) =	ssettag $0x1  }
0x1: {  	s6 =	rddreg [dreg:$0x0];
	s0 =	stileid.u32  }
0x2: {  	s1 =	srdreg.scid;
	s2 =	rddreg [dreg:$0x1];
	s3 =	simm.s32 $0x0  }
0x3: {  	s4 =	smul.u32 $0xA00, s0;
	s7 =	sand.u32 $0x1, s1;
	s1 =	rddreg [dreg:$0x2]  }
0x4: {  	s13 =	simm.s32 $0x0;
	[smem:$0x7FF] =	sst s3;
	s9 =	smul.u32 $0x14000, s0  }
0x5: {  	s5 =	sadd.s32 $0xD600, s6;
	s28 =	smul.u32 $0x50000, s0;
	s31 =	sshll.u32 s0, $0x6  }
0x6: {  	s8 =	smul.u32 $0x140000, s7;
	_ =	strace $0x80000047;
	s11 =	ssub.s32 $0x2, s7  }
0x7: {  	s7 =	smul.u32 $0x500, s7;
	s10 =	sadd.s32 s4, s6;
	s4 =	sadd.s32 $0xFE00, s6  }
0x8: {  	s29 =	sshrl.u32 s11, $0x1;
	s8 =	sadd.s32 s9, s8;
	s9 =	sshrl.u32 s28, $0x2  }
0x9: {  	s30 =	sadd.s32 s7, s10;
	s10 =	simm.s32 $0x1;
	s8 =	sshrl.u32 s8, $0x3  }
0xa: {  	s12 =	sadd.s32 s9, s2;
	s9 =	simm.s32 $0x80;
	s6 =	sadd.s32 s8, s6  }
0xb: {  	s8 =	ssub.s32 s11, s29;
	s11 =	sor.u32 $0x1C01, s31;
	s12 =	sshrl.u32 s12, $0x3  }
0xc: {  	s6 =	sadd.s32 $0x10600, s6;
	s7 =	smax.u32 s8, $0x1;
	s8 =	sadd.s32 $0x3600, s30  }
.LBB2_1:
0xd: {  	[tilespmem:s9], [sflag:$0x1] =	stream.linear.gather [hbm4b:s4+s3], $0x4000, $0x38;
	[tilespmem:$0x18080] =	vst v63  }
0xe: {  	_ =	swait.ge [sflag:s10], $0x4000  }
0xf: {  	[sflag:s10] =	ssyncset.done $0x0  }
0x10: {  	[sflag:s10] =	ssyncadd.s32 $0xFFFFC000  }
0x11: {  	[spmem:s12], [sflag:s11] =	dma.local [hbm:s5], $0x2800  }
0x12: {  	_ =	swait.ge [sflag:s10], $0x2800  }
0x13: {  	[sflag:s10] =	ssyncset.done $0x0  }
0x14: {  	[sflag:s10] =	ssyncadd.s32 $0xFFFFD800  }
0x15: {  	s14 =	sadd.s32 $0x0, s8;
	[bflag:$0x0] =	sbarrier.arrive $0xFFFF  }
0x16: {  	[tilespmem:s3], [sflag:$0x1] =	stream.linear.gather [hbm4b:s14+s3], $0x80, $0x38;
	[tilespmem:$0x18080] =	vst v63  }
0x17: {  	_ =	swait.ge [sflag:s10], $0x80  }
0x18: {  	[sflag:s10] =	ssyncset.done $0x0  }
0x19: {  	[sflag:s10] =	ssyncadd.s32 $0xFFFFFF80  }
0x1a: {  	[spmem:s2] =	stream.indirect.scatter.add.f32 [tilespmem:s9], [sflag:$0x1], $0x80, s3, s9, $0xb8;
	[tilespmem:$0x18080] =	vst v63  }
0x1b: {  	_ =	swait.ge [sflag:s10], $0x4000  }
0x1c: {  	s15 =	simm.s32 $0x20;
	s14 =	simm.s32 $0x10;
	[sflag:s10] =	ssyncset.done $0x0  }
.LBB2_2:
0x1d: {  	s16 =	sadd.s32 s14, s8  }
0x1e: {  	[sflag:s10] =	ssyncadd.s32 $0xFFFFC000;
	s14 =	smov.u32 s15;
	s17 =	sadd.s32 $0x10, s15  }
0x1f: {  	[tilespmem:s3], [sflag:$0x1] =	stream.linear.gather [hbm4b:s16+s3], $0x80, $0x38;
	[tilespmem:$0x18080] =	vst v63  }
0x20: {  	p0 =	sne.s32 s15, $0x4F0;
	_ =	swait.ge [sflag:s10], $0x80  }
.Ltmp0:
0x21: {  	[sflag:s10] =	ssyncset.done $0x0;
	(pc) =	sbr.rel @p0 .LBB2_2-.Ltmp0, $4  }
0x22: {  	[sflag:s10] =	ssyncadd.s32 $0xFFFFFF80  }
0x23: {  	[spmem:s2] =	stream.indirect.scatter.add.f32 [tilespmem:s9], [sflag:$0x1], $0x80, s3, s9, $0xb8;
	[tilespmem:$0x18080] =	vst v63  }
0x24: {  	_ =	swait.ge [sflag:s10], $0x4000  }
0x25: {  	s15 =	smov.u32 s17;
	[sflag:s10] =	ssyncset.done $0x0  }
0x26: {  	s14 =	sadd.s32 s14, s8;
	[sflag:s10] =	ssyncadd.s32 $0xFFFFC000  }
0x27: {  	[tilespmem:s3], [sflag:$0x1] =	stream.linear.gather [hbm4b:s14+s3], $0x80, $0x38;
	[tilespmem:$0x18080] =	vst v63  }
0x28: {  	_ =	swait.ge [sflag:s10], $0x80  }
0x29: {  	[sflag:s10] =	ssyncset.done $0x0  }
0x2a: {  	[sflag:s10] =	ssyncadd.s32 $0xFFFFFF80  }
0x2b: {  	[spmem:s2] =	stream.indirect.scatter.add.f32 [tilespmem:s9], [sflag:$0x1], $0x80, s3, s9, $0xb8;
	[tilespmem:$0x18080] =	vst v63  }
0x2c: {  	_ =	swait.ge [sflag:s10], $0x4000  }
0x2d: {  	s13 =	sadd.s32 $0x1, s13;
	[sflag:s10] =	ssyncset.done $0x0  }
0x2e: {  	p0 =	sne.s32 s13, s7;
	[sflag:s10] =	ssyncadd.s32 $0xFFFFC000  }
.Ltmp1:
0x2f: {  	[bflag:$0x0] =	sbarrier.arrive $0xFFFF;
	(pc) =	sbr.rel @p0 .LBB2_1-.Ltmp1, $4  }
0x30: {  	[hbm:s6], [sflag:s11] =	dma.local [spmem:s12], $0x2800  }
0x31: {  	_ =	swait.ge [sflag:s10], $0x2800  }
0x32: {  	[sflag:s10] =	ssyncset.done $0x0  }
0x33: {  	[sflag:s10] =	ssyncadd.s32 $0xFFFFD800  }
0x34: {  	_ =	sfence.sel $0x180000  }
0x35: {  	[bflag:$0x0] =	sbarrier.arrive $0xFFFF  }
0x36: {  	p0 =	sne.s32 s0, $0x0;
	_ =	strace $0x90000047  }
0x37: {  	s0 =	sadd.s32 @!p0 $0x100000, s1;
	[bflag:$0x2] =	sbarrier.arrive $0xFFFF  }
0x38: {  	[sflag:s0] =	ssyncadd.tile.s32 @!p0 $0x1;
	_ =	shalt  }
.Lfunc_end2:
_tile_overlayer_lowered:
.L_overlay_start_2:
0x39: {  	(tag) =	ssettag $0x2  }
0x3a: {  	s0 =	rddreg [dreg:$0x0];
	s2 =	stileid.u32  }
0x3b: {  	s1 =	rddreg [dreg:$0x1];
	p0 =	sne.s32 s2, $0x0  }
0x3c: {  	s3 =	rddreg [dreg:$0x2];
	[bflag:$0x3] =	sbarrier.arrive $0xFFFF;
	s2 =	simm.s32 @!p0 $0x1C01  }
0x3d: {  	[timem:s3], [sflag:s2] =	dma.local @!p0 [hbm:s0], s1  }
0x3e: {  	s0 =	simm.s32 @!p0 $0x1  }
0x3f: {  	_ =	swait.ge @!p0 [sflag:s0], s1  }
0x40: {  	s1 =	ssub.s32 @!p0 $0x0, s1;
	[sflag:s0] =	ssyncset.done @!p0 $0x0  }
0x41: {  	[sflag:s0] =	ssyncadd.s32 @!p0 s1  }
0x42: {  	[bflag:$0x3] =	sbarrier.arrive $0xFFFF  }
0x43: {  	_ =	shalt  }

// kernel: kernel.13.cloned.1.call-start
scs
__scs_entry_jumppad:
0x0: {  	(pc) =	sbr.rel $0x88, $3  }
0x1: {  	(tag) =	ssettag $0x0;
	lr =	simm.s32 $0x1  }
0x2: {  	[smem:$0x3F96] =	sst lr;
	_ =	strace $0xD0000000  }
0x3: {  	_ = 	snop  }
0x4: {  	_ = 	snop  }
0x5: {  	_ = 	snop  }
0x6: {  	_ = 	snop  }
0x7: {  	_ = 	snop  }
__scs_overlays_trampoline_lowered:
0x8: {  	[smem:$0x3FA5] =	sst s0  }
0x9: {  	[smem:$0x3FA6] =	sst s1  }
0xa: {  	[smem:$0x3FA7] =	sst s2  }
0xb: {  	[smem:$0x3FA8] =	sst s3  }
0xc: {  	[smem:$0x3FA9] =	sst s4  }
0xd: {  	[smem:$0x3FAA] =	sst s5  }
0xe: {  	[smem:$0x3FAB] =	sst s6  }
0xf: {  	[smem:$0x3FAC] =	sst s7  }
0x10: {  	[smem:$0x3FAD] =	sst s8  }
0x11: {  	[smem:$0x3FAE] =	sst s9;
	s0 =	simm.s32 @!p0 $0x0  }
0x12: {  	s1 =	sld [smem:$0x3F94];
	s0 =	simm.s32 @p0 $0x1  }
0x13: {  	[smem:$0x3FAF] =	sst s0;
	s0 =	simm.s32 @!p1 $0x0  }
0x14: {  	s2 =	sld [smem:$0x3F93];
	s0 =	simm.s32 @p1 $0x1  }
0x15: {  	[smem:$0x3FB0] =	sst s0;
	s0 =	simm.s32 @!p2 $0x0  }
0x16: {  	s3 =	sld [smem:$0x3FDB];
	s0 =	simm.s32 @p2 $0x1  }
0x17: {  	s4 =	simm.s32 $0x1BF5;
	[smem:$0x3FB2] =	sst s0  }
0x18: {  	s0 =	sld [smem:$0x3F95];
	_ =	swait.ge [sflag:s4], $0x0  }
0x19: {  	s7 =	sld [smem:$0x3F96]  }
0x1a: {  	s8 =	sadd.s32 $0xFFFFE003, lr  }
0x1b: {  	s9 =	sadd.s32 $0xFFFFFEF7, lr;
	s5 =	simm.s32 $0xFFFFFFFF;
	p2 =	slt.u32 s8, $0xFFFFF086  }
0x1c: {  	p1 =	slt.u32 s9, $0xF7A;
	s5 =	simm.s32 @!p2 $0x0  }
0x1d: {  	s5 =	simm.s32 @p1 $0x1;
	p0 =	seq.s32 s7, s2  }
0x1e: {  	s7 =	smul.u32 @!p0 $0xF7A, s2;
	p2 =	seq.s32 @!p0 s5, $0x0  }
0x1f: {  	s9 =	smul.u32 $0xF7A, s1;
	s8 =	simm.s32 @!p0 $0x1BF5;
	p2 =	por !p2, p0  }
0x20: {  	[sflag:s8] =	ssyncset.s32 @!p0 $0xFFFFF086;
	s6 =	sadd.s32 @!p0 s3, s7;
	s7 =	simm.s32 @!p0 $0x108  }
0x21: {  	s3 =	sadd.s32 s3, s9;
	s6 =	sadd.s32 @!p0 $0x88, s6;
	s7 =	simm.s32 @p2 $0x1082  }
0x22: {  	[simem:s7], [sflag:s8] =	dma.local @!p0 [hbm:s6], $0xF7A  }
0x23: {  	s9 =	sor.u32 $0xD0000000, s2;
	s6 =	simm.s32 $0x108;
	_ =	swait.ge @!p0 [sflag:s8], $0x0  }
0x24: {  	s3 =	sadd.s32 $0x88, s3;
	s6 =	simm.s32 @!p1 $0x1082;
	[sflag:s4] =	ssyncset.s32 $0xFFFFF086  }
0x25: {  	[simem:s6], [sflag:s4] =	dma.local [hbm:s3], $0xF7A  }
0x26: {  	[smem:$0x3F96] =	sst s1;
	(tag) =	ssettag s2;
	_ =	strace s9  }
0x27: {  	s1 =	sld [smem:$0x3FA6]  }
0x28: {  	s2 =	sld [smem:$0x3FA7]  }
0x29: {  	s4 =	sld [smem:$0x3FA9]  }
0x2a: {  	p0 =	seq.s32 s5, $0x0;
	s5 =	sld [smem:$0x3FAA]  }
0x2b: {  	s6 =	sld [smem:$0x3FAB]  }
0x2c: {  	s7 =	sld [smem:$0x3FAC]  }
0x2d: {  	s3 =	simm.s32 $0x108;
	s8 =	sld [smem:$0x3FAD]  }
0x2e: {  	s3 =	simm.s32 @!p0 $0x1082;
	s9 =	sld [smem:$0x3FAE]  }
0x2f: {  	lr =	sadd.s32 s0, s3;
	s0 =	sld [smem:$0x3FA5]  }
0x30: {  	s3 =	sld [smem:$0x3FA8]  }
0x31: {  	[smem:$0x3FB1] =	sst s10  }
0x32: {  	s10 =	sld [smem:$0x3FAF];
	_ =	sdelay $0x3  }
0x33: {  	p0 =	seq.s32 s10, $0x1;
	s10 =	sld [smem:$0x3FB1];
	_ =	sdelay $0x3  }
0x34: {  	[smem:$0x3FB1] =	sst s10  }
0x35: {  	s10 =	sld [smem:$0x3FB0];
	_ =	sdelay $0x3  }
0x36: {  	p1 =	seq.s32 s10, $0x1;
	s10 =	sld [smem:$0x3FB1];
	_ =	sdelay $0x3  }
0x37: {  	[smem:$0x3FB1] =	sst s10  }
0x38: {  	s10 =	sld [smem:$0x3FB2]  }
0x39: {  	_ = 	snop;
	(pc) =	sbr.ind lr, $3  }
0x3a: {  	_ = 	snop  }
0x3b: {  	_ = 	snop  }
0x3c: {  	p2 =	seq.s32 s10, $0x1;
	s10 =	sld [smem:$0x3FB1]  }
0x3d: {  	_ =	shalt  }
0x3e: {  	_ =	shalt  }
0x3f: {  	_ =	shalt  }
0x40: {  	_ =	shalt  }
0x41: {  	_ =	shalt  }
0x42: {  	_ =	shalt  }
0x43: {  	_ =	shalt  }
0x44: {  	_ =	shalt  }
0x45: {  	_ =	shalt  }
0x46: {  	_ =	shalt  }
0x47: {  	_ =	shalt  }
0x48: {  	_ =	shalt  }
0x49: {  	_ =	shalt  }
0x4a: {  	_ =	shalt  }
0x4b: {  	_ =	shalt  }
0x4c: {  	_ =	shalt  }
0x4d: {  	_ =	shalt  }
0x4e: {  	_ =	shalt  }
0x4f: {  	_ =	shalt  }
0x50: {  	_ =	shalt  }
0x51: {  	_ =	shalt  }
0x52: {  	_ =	shalt  }
0x53: {  	_ =	shalt  }
0x54: {  	_ =	shalt  }
0x55: {  	_ =	shalt  }
0x56: {  	_ =	shalt  }
0x57: {  	_ =	shalt  }
0x58: {  	_ =	shalt  }
0x59: {  	_ =	shalt  }
0x5a: {  	_ =	shalt  }
0x5b: {  	_ =	shalt  }
0x5c: {  	_ =	shalt  }
0x5d: {  	_ =	shalt  }
0x5e: {  	_ =	shalt  }
0x5f: {  	_ =	shalt  }
0x60: {  	_ =	shalt  }
0x61: {  	_ =	shalt  }
0x62: {  	_ =	shalt  }
0x63: {  	_ =	shalt  }
0x64: {  	_ =	shalt  }
0x65: {  	_ =	shalt  }
0x66: {  	_ =	shalt  }
0x67: {  	_ =	shalt  }
0x68: {  	_ =	shalt  }
0x69: {  	_ =	shalt  }
0x6a: {  	_ =	shalt  }
0x6b: {  	_ =	shalt  }
0x6c: {  	_ =	shalt  }
0x6d: {  	_ =	shalt  }
0x6e: {  	_ =	shalt  }
0x6f: {  	_ =	shalt  }
0x70: {  	_ =	shalt  }
0x71: {  	_ =	shalt  }
0x72: {  	_ =	shalt  }
0x73: {  	_ =	shalt  }
0x74: {  	_ =	shalt  }
0x75: {  	_ =	shalt  }
0x76: {  	_ =	shalt  }
0x77: {  	_ =	shalt  }
0x78: {  	_ =	shalt  }
0x79: {  	_ =	shalt  }
0x7a: {  	_ =	shalt  }
0x7b: {  	_ =	shalt  }
0x7c: {  	_ =	shalt  }
0x7d: {  	_ =	shalt  }
0x7e: {  	_ =	shalt  }
0x7f: {  	_ =	shalt  }
0x80: {  	_ =	shalt  }
0x81: {  	_ =	shalt  }
0x82: {  	_ =	shalt  }
0x83: {  	_ =	shalt  }
0x84: {  	_ =	shalt  }
0x85: {  	_ =	shalt  }
0x86: {  	_ =	shalt  }
0x87: {  	_ =	shalt  }
.Lfunc_end0:
.L_simem_size_0:
called_computation.1_lowered:
.L_overlay_start_0:
0x88: {  	s2 =	sld [smem:$0x3FD9]  }
0x89: {  	s3 =	sld [smem:$0x3FFE];
	_ =	sdelay $0x1  }
0x8a: {  	s1 =	srdreg.scid  }
0x8b: {  	s0 =	sand.u32 $0x1, s1  }
0x8c: {  	s16 =	sshll.u32 s0, $0xA;
	s2 =	sadd.s32 s3, s2  }
0x8d: {  	s2 =	sadd.s32 s2, s16  }
0x8e: {  	[smem:$0x3FBD] =	sst s2  }
0x8f: {  	_ = 	snop  }
0x90: {  	(tm) =	ssettm $0x1  }
0x91: {  	s17 =	sld [smem:$0x3FFB];
	_ =	sdelay $0x3  }
0x92: {  	_ =	strace s17  }
0x93: {  	s2 =	sld [smem:$0x3FFC];
	_ =	sdelay $0x3  }
0x94: {  	_ =	strace s2  }
0x95: {  	s2 =	sld [smem:$0x3FFD];
	_ =	sdelay $0x3  }
0x96: {  	_ =	strace s2  }
0x97: {  	_ =	strace $0x8FFFFFFF  }
0x98: {  	s18 =	sld [smem:$0x3FDB];
	_ =	sdelay $0x1  }
0x99: {  	s19 =	simm.s32 $_scs_section_size  }
0x9a: {  	s4 =	simm.s32 $_size__tile_overlayer_lowered;
	s5 =	simm.s32 $_tile_overlayer_lowered  }
0x9b: {  	s22 =	simm.s32 $0x1BFF;
	s21 =	sshll.u32 s5, $0x1;
	s2 =	sadd.s32 s19, s18  }
0x9c: {  	s6 =	simm.s32 $0x0;
	s20 =	sshll.u32 s4, $0x1;
	s4 =	sadd.s32 s21, s2  }
0x9d: {  	[timem:s6], [sflag:s22] =	dma.local [hbm:s4], s20  }
0x9e: {  	_ =	swait.ge [sflag:s22], s20  }
0x9f: {  	s3 =	ssub.s32 $0x0, s20;
	[sflag:s22] =	ssyncset.done $0x0  }
0xa0: {  	[sflag:s22] =	ssyncadd.s32 s3;
	_ =	sdelay $0x1  }
0xa1: {  	s23 =	simm.s32 $0x1B8B  }
0xa2: {  	_ =	swait.ge [sflag:s23], $0x1  }
0xa3: {  	[sflag:s23] =	ssyncset.done $0x0  }
0xa4: {  	s25 =	simm.s32 $0x1B8E;
	s24 =	sld [smem:$0x3FFE];
	[sflag:s23] =	ssyncadd.s32 $0xFFFFFFFF  }
0xa5: {  	s26 =	simm.s32 $execute0_lowered;
	[smem:$0x3FD2] =	sst s25  }
0xa6: {  	s4 =	sshll.u32 s26, $0x1;
	_ =	strace $0x80000049;
	[dreg:$0x1] =	wrdreg $0xFFFFFFFF  }
0xa7: {  	s28 =	simm.s32 $_size_execute0_lowered;
	s2 =	sadd.s32 s2, s4;
	[dreg:$0x0] =	wrdreg $0x0  }
0xa8: {  	s4 =	sshll.u32 s28, $0x1;
	[dreg:$0x2] =	wrdreg s2  }
0xa9: {  	[dreg:$0x3] =	wrdreg s4  }
0xaa: {  	[dreg:$0x4] =	wrdreg $0xC0  }
0xab: {  	_ =	task [dreg:s6], $0x5FFFF  }
0xac: {  	[dreg:$0x1] =	wrdreg $0xFFFFFFFF  }
0xad: {  	[dreg:$0x0] =	wrdreg $0x60  }
0xae: {  	[dreg:$0x2] =	wrdreg s24  }
0xaf: {  	[dreg:$0x3] =	wrdreg $0x82000  }
0xb0: {  	[dreg:$0x4] =	wrdreg $0x9  }
0xb1: {  	_ =	task.clear_ibuf [dreg:s6], $0x5FFFF;
	_ =	strace $0x90000049  }
0xb2: {  	s29 =	simm.s32 $0x9;
	_ =	strace $0x8000004B  }
0xb3: {  	_ =	swait.ge [sflag:s29], $0x1  }
0xb4: {  	[sflag:s29] =	ssyncadd.s32 $0xFFFFFFFF  }
0xb5: {  	_ =	strace $0x9000004B  }
0xb6: {  	_ =	sfence  }
0xb7: {  	s30 =	sld [smem:$0x0];
	_ =	sdelay $0x2  }
0xb8: {  	s31 =	sshll.u32 s1, $0xD;
	s1 =	sshrl.u32 s1, $0x2  }
0xb9: {  	s3 =	sand.u32 $0x4000, s31;
	s1 =	sadd.s32 s1, s30  }
0xba: {  	s0 =	sor.u32 s3, s0;
	s1 =	sshll.u32 s1, $0x11  }
0xbb: {  	s0 =	sor.u32 s1, s0  }
0xbc: {  	s0 =	sadd.s32 $0x8F2B, s0  }
0xbd: {  	[sflag:s0] =	ssyncadd.remote.s32 $0x1  }
0xbe: {  	_ =	sfence.sel $0xFFFF  }
0xbf: {  	[dreg:$0x0] =	wrdreg $0xFFFFFFFF;
	(pc) =	sbr.abs _section_cstart, $3  }
0xc0: {  	[dreg:$0x1] =	wrdreg $0xFFFFFFFF  }
0xc1: {  	_ =	task.clear_ibuf [dreg:s6], $0x2FFFF;
	_ =	strace $0x9FFFFFFF  }
0xc2: {  	(tm) =	ssettm $0x7FFFFFFF  }
0xc3: {  	_ =	shalt  }
tec
execute0_lowered:
.L_overlay_start_1:
0x0: {  	(tag) =	ssettag $0x1  }
0x1: {  	s6 =	rddreg [dreg:$0x0]  }
0x2: {  	s1 =	rddreg [dreg:$0x1];
	s2 =	srdreg.scid  }
0x3: {  	s3 =	simm.s32 $0x0;
	s20 =	simm.s32 $0x200;
	s21 =	simm.s32 $0x100  }
0x4: {  	s22 =	simm.s32 $0x180;
	s7 =	sand.u32 $0x1, s2;
	s2 =	stileid.u32  }
0x5: {  	s23 =	simm.s32 $0x4200;
	[smem:$0x7FF] =	sst s3;
	s8 =	smul.u32 $0x140000, s7  }
0x6: {  	s4 =	sadd.s32 $0x37000, s6;
	s16 =	sadd.s32 $0x60600, s6;
	s9 =	smul.u32 $0x14000, s2  }
0x7: {  	s15 =	sadd.s32 $0x3600, s6;
	s5 =	sadd.s32 $0xD600, s6;
	s10 =	smul.u32 $0x50000, s2  }
0x8: {  	_ =	strace $0x8000004A;
	s24 =	sshll.u32 s2, $0x1;
	s29 =	smul.u32 $0x5000, s2  }
0x9: {  	s25 =	ssub.s32 $0x2, s7;
	s30 =	sshll.u32 s2, $0x6;
	s14 =	smul.u32 $0x2800, s7  }
0xa: {  	s26 =	sor.u32 s7, s24;
	s28 =	sshrl.u32 s25, $0x1;
	s24 =	simm.s32 $0x1  }
0xb: {  	s8 =	sadd.s32 s9, s8;
	s10 =	sshrl.u32 s10, $0x2;
	s12 =	ssub.s32 s25, s28  }
0xc: {  	s14 =	sadd.s32 s14, s29;
	s25 =	simm.s32 $0x2;
	s8 =	sshrl.u32 s8, $0x3  }
0xd: {  	s17 =	sadd.s32 s10, s1;
	s10 =	smax.u32 s12, $0x1;
	s18 =	sor.u32 $0x100, s14  }
0xe: {  	s19 =	sor.u32 $0x80, s14;
	s11 =	sadd.s32 s8, s6;
	s8 =	smul.u32 $0x2800, s26  }
0xf: {  	s6 =	sor.u32 $0x1C03, s30;
	s18 =	sshrl.u32 s18, $0x3;
	s31 =	sshrl.u32 s19, $0x3  }
0x10: {  	s17 =	sshrl.u32 s17, $0x3;
	s19 =	simm.s32 $0x80;
	s26 =	simm.s32 $0x0  }
0x11: {  	s9 =	sadd.s32 $0x6A600, s11;
	s14 =	sadd.s32 s18, s16;
	s13 =	sshrl.u32 s8, $0x3  }
0x12: {  	s7 =	sadd.s32 s16, s13;
	s8 =	sadd.s32 s15, s13;
	s13 =	sadd.s32 $0x4F0, s13  }
0x13: {  	s11 =	sadd.s32 s16, s13;
	s12 =	sadd.s32 s15, s13;
	s13 =	sadd.s32 s18, s15  }
0x14: {  	s15 =	sadd.s32 s31, s15;
	s16 =	sadd.s32 s31, s16;
	s18 =	simm.s32 $0x3  }
.LBB2_1:
0x15: {  	[spmem:s17], [sflag:s6] =	dma.local [hbm:s5], $0x2800  }
0x16: {  	_ =	swait.ge [sflag:s18], $0x2800  }
0x17: {  	[sflag:s18] =	ssyncset.done $0x0  }
0x18: {  	[sflag:s18] =	ssyncadd.s32 $0xFFFFD800  }
0x19: {  	[bflag:$0x0] =	sbarrier.arrive $0xFFFF  }
0x1a: {  	[tilespmem:s3], [sflag:$0x3] =	stream.linear.gather [hbm4b:s7+s3], $0x80, $0x38;
	[tilespmem:$0x1C200] =	vst v63  }
0x1b: {  	_ =	swait.ge [sflag:s18], $0x80  }
0x1c: {  	[sflag:s18] =	ssyncset.done $0x0  }
0x1d: {  	[sflag:s18] =	ssyncadd.s32 $0xFFFFFF80  }
0x1e: {  	[tilespmem:s19], [sflag:$0x3] =	stream.linear.gather [hbm4b:s8+s3], $0x80, $0x38;
	[tilespmem:$0x1C200] =	vst v63  }
0x1f: {  	_ =	swait.ge [sflag:s18], $0x80  }
0x20: {  	[sflag:s18] =	ssyncset.done $0x0  }
0x21: {  	[sflag:s18] =	ssyncadd.s32 $0xFFFFFF80  }
0x22: {  	[tilespmem:s20], [sflag:$0x1] =	stream.indirect.gather [hbm4b:s4+s19], $0x80, s3, s19, $0xb8;
	[tilespmem:$0x1C200] =	vst v63  }
0x23: {  	s28 =	sadd.s32 $0x0, s16  }
0x24: {  	[tilespmem:s21], [sflag:$0x3] =	stream.linear.gather [hbm4b:s28+s3], $0x80, $0x38;
	[tilespmem:$0x1C200] =	vst v63  }
0x25: {  	_ =	swait.ge [sflag:s18], $0x80  }
0x26: {  	[sflag:s18] =	ssyncset.done $0x0  }
0x27: {  	s28 =	sadd.s32 $0x0, s15;
	[sflag:s18] =	ssyncadd.s32 $0xFFFFFF80  }
0x28: {  	[tilespmem:s22], [sflag:$0x3] =	stream.linear.gather [hbm4b:s28+s3], $0x80, $0x38;
	[tilespmem:$0x1C200] =	vst v63  }
0x29: {  	_ =	swait.ge [sflag:s18], $0x80  }
0x2a: {  	[sflag:s18] =	ssyncset.done $0x0  }
0x2b: {  	[sflag:s18] =	ssyncadd.s32 $0xFFFFFF80  }
0x2c: {  	[tilespmem:s23], [sflag:$0x2] =	stream.indirect.gather [hbm4b:s4+s19], $0x80, s21, s19, $0xb8;
	[tilespmem:$0x1C200] =	vst v63  }
0x2d: {  	_ =	swait.ge [sflag:s24], $0x4000  }
0x2e: {  	[sflag:s24] =	ssyncset.done $0x0  }
0x2f: {  	[sflag:s24] =	ssyncadd.s32 $0xFFFFC000  }
0x30: {  	[spmem:s1] =	stream.indirect.scatter.add.f32 [tilespmem:s20], [sflag:$0x3], $0x80, s19, s19, $0xb8;
	[tilespmem:$0x1C200] =	vst v63  }
0x31: {  	_ =	swait.ge [sflag:s18], $0x4000  }
0x32: {  	[sflag:s18] =	ssyncset.done $0x0  }
0x33: {  	s28 =	sadd.s32 $0x0, s14;
	[sflag:s18] =	ssyncadd.s32 $0xFFFFC000  }
0x34: {  	[tilespmem:s3], [sflag:$0x3] =	stream.linear.gather [hbm4b:s28+s3], $0x80, $0x38;
	[tilespmem:$0x1C200] =	vst v63  }
0x35: {  	_ =	swait.ge [sflag:s18], $0x80  }
0x36: {  	[sflag:s18] =	ssyncset.done $0x0  }
0x37: {  	s28 =	sadd.s32 $0x0, s13;
	[sflag:s18] =	ssyncadd.s32 $0xFFFFFF80  }
0x38: {  	[tilespmem:s19], [sflag:$0x3] =	stream.linear.gather [hbm4b:s28+s3], $0x80, $0x38;
	[tilespmem:$0x1C200] =	vst v63  }
0x39: {  	_ =	swait.ge [sflag:s18], $0x80  }
0x3a: {  	[sflag:s18] =	ssyncset.done $0x0  }
0x3b: {  	[sflag:s18] =	ssyncadd.s32 $0xFFFFFF80  }
0x3c: {  	[tilespmem:s20], [sflag:$0x1] =	stream.indirect.gather [hbm4b:s4+s19], $0x80, s3, s19, $0xb8;
	[tilespmem:$0x1C200] =	vst v63  }
0x3d: {  	_ =	swait.ge [sflag:s25], $0x4000  }
0x3e: {  	[sflag:s25] =	ssyncset.done $0x0  }
0x3f: {  	[sflag:s25] =	ssyncadd.s32 $0xFFFFC000  }
0x40: {  	[spmem:s1] =	stream.indirect.scatter.add.f32 [tilespmem:s23], [sflag:$0x3], $0x80, s22, s19, $0xb8;
	[tilespmem:$0x1C200] =	vst v63  }
0x41: {  	_ =	swait.ge [sflag:s18], $0x4000  }
0x42: {  	s30 =	simm.s32 $0x40;
	s28 =	simm.s32 $0x20;
	[sflag:s18] =	ssyncset.done $0x0  }
.LBB2_2:
0x43: {  	s31 =	sadd.s32 s28, s16  }
0x44: {  	[sflag:s18] =	ssyncadd.s32 $0xFFFFC000;
	s0 =	smov.u32 s30;
	s29 =	sadd.s32 $0x20, s30  }
0x45: {  	[tilespmem:s21], [sflag:$0x3] =	stream.linear.gather [hbm4b:s31+s3], $0x80, $0x38;
	[tilespmem:$0x1C200] =	vst v63  }
0x46: {  	p0 =	sne.s32 s30, $0x4C0;
	_ =	swait.ge [sflag:s18], $0x80  }
0x47: {  	[sflag:s18] =	ssyncset.done $0x0  }
0x48: {  	s30 =	sadd.s32 s28, s15;
	[sflag:s18] =	ssyncadd.s32 $0xFFFFFF80  }
0x49: {  	[tilespmem:s22], [sflag:$0x3] =	stream.linear.gather [hbm4b:s30+s3], $0x80, $0x38;
	[tilespmem:$0x1C200] =	vst v63  }
0x4a: {  	_ =	swait.ge [sflag:s18], $0x80  }
0x4b: {  	[sflag:s18] =	ssyncset.done $0x0  }
0x4c: {  	[sflag:s18] =	ssyncadd.s32 $0xFFFFFF80  }
0x4d: {  	[tilespmem:s23], [sflag:$0x2] =	stream.indirect.gather [hbm4b:s4+s19], $0x80, s21, s19, $0xb8;
	[tilespmem:$0x1C200] =	vst v63  }
0x4e: {  	_ =	swait.ge [sflag:s24], $0x4000  }
0x4f: {  	[sflag:s24] =	ssyncset.done $0x0  }
0x50: {  	[sflag:s24] =	ssyncadd.s32 $0xFFFFC000  }
0x51: {  	[spmem:s1] =	stream.indirect.scatter.add.f32 [tilespmem:s20], [sflag:$0x3], $0x80, s19, s19, $0xb8;
	[tilespmem:$0x1C200] =	vst v63  }
0x52: {  	_ =	swait.ge [sflag:s18], $0x4000  }
0x53: {  	[sflag:s18] =	ssyncset.done $0x0  }
0x54: {  	s30 =	sadd.s32 s28, s14;
	[sflag:s18] =	ssyncadd.s32 $0xFFFFC000  }
0x55: {  	[tilespmem:s3], [sflag:$0x3] =	stream.linear.gather [hbm4b:s30+s3], $0x80, $0x38;
	[tilespmem:$0x1C200] =	vst v63  }
0x56: {  	_ =	swait.ge [sflag:s18], $0x80  }
0x57: {  	[sflag:s18] =	ssyncset.done $0x0  }
0x58: {  	s30 =	sadd.s32 s28, s13;
	s28 =	smov.u32 s0;
	[sflag:s18] =	ssyncadd.s32 $0xFFFFFF80  }
0x59: {  	[tilespmem:s19], [sflag:$0x3] =	stream.linear.gather [hbm4b:s30+s3], $0x80, $0x38;
	[tilespmem:$0x1C200] =	vst v63  }
0x5a: {  	_ =	swait.ge [sflag:s18], $0x80  }
0x5b: {  	[sflag:s18] =	ssyncset.done $0x0  }
0x5c: {  	[sflag:s18] =	ssyncadd.s32 $0xFFFFFF80  }
0x5d: {  	[tilespmem:s20], [sflag:$0x1] =	stream.indirect.gather [hbm4b:s4+s19], $0x80, s3, s19, $0xb8;
	[tilespmem:$0x1C200] =	vst v63  }
0x5e: {  	_ =	swait.ge [sflag:s25], $0x4000  }
.Ltmp0:
0x5f: {  	[sflag:s25] =	ssyncset.done $0x0;
	(pc) =	sbr.rel @p0 .LBB2_2-.Ltmp0, $4  }
0x60: {  	[sflag:s25] =	ssyncadd.s32 $0xFFFFC000  }
0x61: {  	[spmem:s1] =	stream.indirect.scatter.add.f32 [tilespmem:s23], [sflag:$0x3], $0x80, s22, s19, $0xb8;
	[tilespmem:$0x1C200] =	vst v63  }
0x62: {  	_ =	swait.ge [sflag:s18], $0x4000  }
0x63: {  	s30 =	smov.u32 s29;
	[sflag:s18] =	ssyncset.done $0x0  }
0x64: {  	s0 =	sadd.s32 s28, s16;
	[sflag:s18] =	ssyncadd.s32 $0xFFFFC000  }
0x65: {  	[tilespmem:s21], [sflag:$0x3] =	stream.linear.gather [hbm4b:s0+s3], $0x80, $0x38;
	[tilespmem:$0x1C200] =	vst v63  }
0x66: {  	_ =	swait.ge [sflag:s18], $0x80  }
0x67: {  	[sflag:s18] =	ssyncset.done $0x0  }
0x68: {  	s29 =	sadd.s32 s28, s15;
	[sflag:s18] =	ssyncadd.s32 $0xFFFFFF80  }
0x69: {  	[tilespmem:s22], [sflag:$0x3] =	stream.linear.gather [hbm4b:s29+s3], $0x80, $0x38;
	[tilespmem:$0x1C200] =	vst v63  }
0x6a: {  	_ =	swait.ge [sflag:s18], $0x80  }
0x6b: {  	[sflag:s18] =	ssyncset.done $0x0  }
0x6c: {  	[sflag:s18] =	ssyncadd.s32 $0xFFFFFF80  }
0x6d: {  	[tilespmem:s23], [sflag:$0x2] =	stream.indirect.gather [hbm4b:s4+s19], $0x80, s21, s19, $0xb8;
	[tilespmem:$0x1C200] =	vst v63  }
0x6e: {  	_ =	swait.ge [sflag:s24], $0x4000  }
0x6f: {  	[sflag:s24] =	ssyncset.done $0x0  }
0x70: {  	[sflag:s24] =	ssyncadd.s32 $0xFFFFC000  }
0x71: {  	[spmem:s1] =	stream.indirect.scatter.add.f32 [tilespmem:s20], [sflag:$0x3], $0x80, s19, s19, $0xb8;
	[tilespmem:$0x1C200] =	vst v63  }
0x72: {  	_ =	swait.ge [sflag:s18], $0x4000  }
0x73: {  	[sflag:s18] =	ssyncset.done $0x0  }
0x74: {  	s30 =	sadd.s32 s28, s14;
	[sflag:s18] =	ssyncadd.s32 $0xFFFFC000  }
0x75: {  	[tilespmem:s3], [sflag:$0x3] =	stream.linear.gather [hbm4b:s30+s3], $0x80, $0x38;
	[tilespmem:$0x1C200] =	vst v63  }
0x76: {  	_ =	swait.ge [sflag:s18], $0x80  }
0x77: {  	[sflag:s18] =	ssyncset.done $0x0  }
0x78: {  	s31 =	sadd.s32 s28, s13;
	[sflag:s18] =	ssyncadd.s32 $0xFFFFFF80  }
0x79: {  	[tilespmem:s19], [sflag:$0x3] =	stream.linear.gather [hbm4b:s31+s3], $0x80, $0x38;
	[tilespmem:$0x1C200] =	vst v63  }
0x7a: {  	_ =	swait.ge [sflag:s18], $0x80  }
0x7b: {  	[sflag:s18] =	ssyncset.done $0x0  }
0x7c: {  	[sflag:s18] =	ssyncadd.s32 $0xFFFFFF80  }
0x7d: {  	[tilespmem:s20], [sflag:$0x1] =	stream.indirect.gather [hbm4b:s4+s19], $0x80, s3, s19, $0xb8;
	[tilespmem:$0x1C200] =	vst v63  }
0x7e: {  	_ =	swait.ge [sflag:s25], $0x4000  }
0x7f: {  	[sflag:s25] =	ssyncset.done $0x0  }
0x80: {  	[sflag:s25] =	ssyncadd.s32 $0xFFFFC000  }
0x81: {  	[spmem:s1] =	stream.indirect.scatter.add.f32 [tilespmem:s23], [sflag:$0x3], $0x80, s22, s19, $0xb8;
	[tilespmem:$0x1C200] =	vst v63  }
0x82: {  	_ =	swait.ge [sflag:s18], $0x4000  }
0x83: {  	[sflag:s18] =	ssyncset.done $0x0  }
0x84: {  	[sflag:s18] =	ssyncadd.s32 $0xFFFFC000  }
0x85: {  	[tilespmem:s21], [sflag:$0x3] =	stream.linear.gather [hbm4b:s11+s3], $0x80, $0x38;
	[tilespmem:$0x1C200] =	vst v63  }
0x86: {  	_ =	swait.ge [sflag:s18], $0x80  }
0x87: {  	[sflag:s18] =	ssyncset.done $0x0  }
0x88: {  	[sflag:s18] =	ssyncadd.s32 $0xFFFFFF80  }
0x89: {  	[tilespmem:s22], [sflag:$0x3] =	stream.linear.gather [hbm4b:s12+s3], $0x80, $0x38;
	[tilespmem:$0x1C200] =	vst v63  }
0x8a: {  	_ =	swait.ge [sflag:s18], $0x80  }
0x8b: {  	[sflag:s18] =	ssyncset.done $0x0  }
0x8c: {  	[sflag:s18] =	ssyncadd.s32 $0xFFFFFF80  }
0x8d: {  	[tilespmem:s23], [sflag:$0x2] =	stream.indirect.gather [hbm4b:s4+s19], $0x80, s21, s19, $0xb8;
	[tilespmem:$0x1C200] =	vst v63  }
0x8e: {  	_ =	swait.ge [sflag:s24], $0x4000  }
0x8f: {  	[sflag:s24] =	ssyncset.done $0x0  }
0x90: {  	[sflag:s24] =	ssyncadd.s32 $0xFFFFC000  }
0x91: {  	[spmem:s1] =	stream.indirect.scatter.add.f32 [tilespmem:s20], [sflag:$0x3], $0x80, s19, s19, $0xb8;
	[tilespmem:$0x1C200] =	vst v63  }
0x92: {  	_ =	swait.ge [sflag:s18], $0x4000  }
0x93: {  	[sflag:s18] =	ssyncset.done $0x0  }
0x94: {  	[sflag:s18] =	ssyncadd.s32 $0xFFFFC000  }
0x95: {  	_ =	swait.ge [sflag:s25], $0x4000  }
0x96: {  	[sflag:s25] =	ssyncset.done $0x0  }
0x97: {  	[sflag:s25] =	ssyncadd.s32 $0xFFFFC000  }
0x98: {  	[spmem:s1] =	stream.indirect.scatter.add.f32 [tilespmem:s23], [sflag:$0x3], $0x80, s22, s19, $0xb8;
	[tilespmem:$0x1C200] =	vst v63  }
0x99: {  	_ =	swait.ge [sflag:s18], $0x4000  }
0x9a: {  	s26 =	sadd.s32 $0x1, s26;
	[sflag:s18] =	ssyncset.done $0x0  }
0x9b: {  	p0 =	sne.s32 s26, s10;
	[sflag:s18] =	ssyncadd.s32 $0xFFFFC000  }
.Ltmp1:
0x9c: {  	[bflag:$0x0] =	sbarrier.arrive $0xFFFF;
	(pc) =	sbr.rel @p0 .LBB2_1-.Ltmp1, $4  }
0x9d: {  	[hbm:s9], [sflag:s6] =	dma.local [spmem:s17], $0x2800  }
0x9e: {  	_ =	swait.ge [sflag:s18], $0x2800  }
0x9f: {  	[sflag:s18] =	ssyncset.done $0x0  }
0xa0: {  	[sflag:s18] =	ssyncadd.s32 $0xFFFFD800  }
0xa1: {  	_ =	sfence.sel $0x180000  }
0xa2: {  	[bflag:$0x0] =	sbarrier.arrive $0xFFFF  }
0xa3: {  	_ =	strace $0x9000004A  }
0xa4: {  	[bflag:$0x2] =	sbarrier.arrive $0xFFFF  }
0xa5: {  	p0 =	sne.s32 s2, $0x0;
	s0 =	rddreg [dreg:$0x2]  }
0xa6: {  	s0 =	sadd.s32 @!p0 $0x100000, s0  }
0xa7: {  	[sflag:s0] =	ssyncadd.tile.s32 @!p0 $0x1;
	_ =	shalt  }
.Lfunc_end2:
_tile_overlayer_lowered:
.L_overlay_start_2:
0xa8: {  	(tag) =	ssettag $0x2  }
0xa9: {  	s0 =	rddreg [dreg:$0x0];
	s2 =	stileid.u32  }
0xaa: {  	s1 =	rddreg [dreg:$0x1];
	p0 =	sne.s32 s2, $0x0  }
0xab: {  	s3 =	rddreg [dreg:$0x2];
	[bflag:$0x3] =	sbarrier.arrive $0xFFFF;
	s2 =	simm.s32 @!p0 $0x1C03  }
0xac: {  	[timem:s3], [sflag:s2] =	dma.local @!p0 [hbm:s0], s1  }
0xad: {  	s0 =	simm.s32 @!p0 $0x3  }
0xae: {  	_ =	swait.ge @!p0 [sflag:s0], s1  }
0xaf: {  	s1 =	ssub.s32 @!p0 $0x0, s1;
	[sflag:s0] =	ssyncset.done @!p0 $0x0  }
0xb0: {  	[sflag:s0] =	ssyncadd.s32 @!p0 s1  }
0xb1: {  	[bflag:$0x3] =	sbarrier.arrive $0xFFFF  }
0xb2: {  	_ =	shalt  }

// kernel: kernel.16.cloned.1.call-start
scs
__scs_entry_jumppad:
0x0: {  	(pc) =	sbr.rel $0x88, $3  }
0x1: {  	(tag) =	ssettag $0x0;
	lr =	simm.s32 $0x1  }
0x2: {  	[smem:$0x3F96] =	sst lr;
	_ =	strace $0xD0000000  }
0x3: {  	_ = 	snop  }
0x4: {  	_ = 	snop  }
0x5: {  	_ = 	snop  }
0x6: {  	_ = 	snop  }
0x7: {  	_ = 	snop  }
__scs_overlays_trampoline_lowered:
0x8: {  	[smem:$0x3FA5] =	sst s0  }
0x9: {  	[smem:$0x3FA6] =	sst s1  }
0xa: {  	[smem:$0x3FA7] =	sst s2  }
0xb: {  	[smem:$0x3FA8] =	sst s3  }
0xc: {  	[smem:$0x3FA9] =	sst s4  }
0xd: {  	[smem:$0x3FAA] =	sst s5  }
0xe: {  	[smem:$0x3FAB] =	sst s6  }
0xf: {  	[smem:$0x3FAC] =	sst s7  }
0x10: {  	[smem:$0x3FAD] =	sst s8  }
0x11: {  	[smem:$0x3FAE] =	sst s9;
	s0 =	simm.s32 @!p0 $0x0  }
0x12: {  	s1 =	sld [smem:$0x3F94];
	s0 =	simm.s32 @p0 $0x1  }
0x13: {  	[smem:$0x3FAF] =	sst s0;
	s0 =	simm.s32 @!p1 $0x0  }
0x14: {  	s2 =	sld [smem:$0x3F93];
	s0 =	simm.s32 @p1 $0x1  }
0x15: {  	[smem:$0x3FB0] =	sst s0;
	s0 =	simm.s32 @!p2 $0x0  }
0x16: {  	s3 =	sld [smem:$0x3FDB];
	s0 =	simm.s32 @p2 $0x1  }
0x17: {  	s4 =	simm.s32 $0x1BF5;
	[smem:$0x3FB2] =	sst s0  }
0x18: {  	s0 =	sld [smem:$0x3F95];
	_ =	swait.ge [sflag:s4], $0x0  }
0x19: {  	s7 =	sld [smem:$0x3F96]  }
0x1a: {  	s8 =	sadd.s32 $0xFFFFE003, lr  }
0x1b: {  	s9 =	sadd.s32 $0xFFFFFEF7, lr;
	s5 =	simm.s32 $0xFFFFFFFF;
	p2 =	slt.u32 s8, $0xFFFFF086  }
0x1c: {  	p1 =	slt.u32 s9, $0xF7A;
	s5 =	simm.s32 @!p2 $0x0  }
0x1d: {  	s5 =	simm.s32 @p1 $0x1;
	p0 =	seq.s32 s7, s2  }
0x1e: {  	s7 =	smul.u32 @!p0 $0xF7A, s2;
	p2 =	seq.s32 @!p0 s5, $0x0  }
0x1f: {  	s9 =	smul.u32 $0xF7A, s1;
	s8 =	simm.s32 @!p0 $0x1BF5;
	p2 =	por !p2, p0  }
0x20: {  	[sflag:s8] =	ssyncset.s32 @!p0 $0xFFFFF086;
	s6 =	sadd.s32 @!p0 s3, s7;
	s7 =	simm.s32 @!p0 $0x108  }
0x21: {  	s3 =	sadd.s32 s3, s9;
	s6 =	sadd.s32 @!p0 $0x88, s6;
	s7 =	simm.s32 @p2 $0x1082  }
0x22: {  	[simem:s7], [sflag:s8] =	dma.local @!p0 [hbm:s6], $0xF7A  }
0x23: {  	s9 =	sor.u32 $0xD0000000, s2;
	s6 =	simm.s32 $0x108;
	_ =	swait.ge @!p0 [sflag:s8], $0x0  }
0x24: {  	s3 =	sadd.s32 $0x88, s3;
	s6 =	simm.s32 @!p1 $0x1082;
	[sflag:s4] =	ssyncset.s32 $0xFFFFF086  }
0x25: {  	[simem:s6], [sflag:s4] =	dma.local [hbm:s3], $0xF7A  }
0x26: {  	[smem:$0x3F96] =	sst s1;
	(tag) =	ssettag s2;
	_ =	strace s9  }
0x27: {  	s1 =	sld [smem:$0x3FA6]  }
0x28: {  	s2 =	sld [smem:$0x3FA7]  }
0x29: {  	s4 =	sld [smem:$0x3FA9]  }
0x2a: {  	p0 =	seq.s32 s5, $0x0;
	s5 =	sld [smem:$0x3FAA]  }
0x2b: {  	s6 =	sld [smem:$0x3FAB]  }
0x2c: {  	s7 =	sld [smem:$0x3FAC]  }
0x2d: {  	s3 =	simm.s32 $0x108;
	s8 =	sld [smem:$0x3FAD]  }
0x2e: {  	s3 =	simm.s32 @!p0 $0x1082;
	s9 =	sld [smem:$0x3FAE]  }
0x2f: {  	lr =	sadd.s32 s0, s3;
	s0 =	sld [smem:$0x3FA5]  }
0x30: {  	s3 =	sld [smem:$0x3FA8]  }
0x31: {  	[smem:$0x3FB1] =	sst s10  }
0x32: {  	s10 =	sld [smem:$0x3FAF];
	_ =	sdelay $0x3  }
0x33: {  	p0 =	seq.s32 s10, $0x1;
	s10 =	sld [smem:$0x3FB1];
	_ =	sdelay $0x3  }
0x34: {  	[smem:$0x3FB1] =	sst s10  }
0x35: {  	s10 =	sld [smem:$0x3FB0];
	_ =	sdelay $0x3  }
0x36: {  	p1 =	seq.s32 s10, $0x1;
	s10 =	sld [smem:$0x3FB1];
	_ =	sdelay $0x3  }
0x37: {  	[smem:$0x3FB1] =	sst s10  }
0x38: {  	s10 =	sld [smem:$0x3FB2]  }
0x39: {  	_ = 	snop;
	(pc) =	sbr.ind lr, $3  }
0x3a: {  	_ = 	snop  }
0x3b: {  	_ = 	snop  }
0x3c: {  	p2 =	seq.s32 s10, $0x1;
	s10 =	sld [smem:$0x3FB1]  }
0x3d: {  	_ =	shalt  }
0x3e: {  	_ =	shalt  }
0x3f: {  	_ =	shalt  }
0x40: {  	_ =	shalt  }
0x41: {  	_ =	shalt  }
0x42: {  	_ =	shalt  }
0x43: {  	_ =	shalt  }
0x44: {  	_ =	shalt  }
0x45: {  	_ =	shalt  }
0x46: {  	_ =	shalt  }
0x47: {  	_ =	shalt  }
0x48: {  	_ =	shalt  }
0x49: {  	_ =	shalt  }
0x4a: {  	_ =	shalt  }
0x4b: {  	_ =	shalt  }
0x4c: {  	_ =	shalt  }
0x4d: {  	_ =	shalt  }
0x4e: {  	_ =	shalt  }
0x4f: {  	_ =	shalt  }
0x50: {  	_ =	shalt  }
0x51: {  	_ =	shalt  }
0x52: {  	_ =	shalt  }
0x53: {  	_ =	shalt  }
0x54: {  	_ =	shalt  }
0x55: {  	_ =	shalt  }
0x56: {  	_ =	shalt  }
0x57: {  	_ =	shalt  }
0x58: {  	_ =	shalt  }
0x59: {  	_ =	shalt  }
0x5a: {  	_ =	shalt  }
0x5b: {  	_ =	shalt  }
0x5c: {  	_ =	shalt  }
0x5d: {  	_ =	shalt  }
0x5e: {  	_ =	shalt  }
0x5f: {  	_ =	shalt  }
0x60: {  	_ =	shalt  }
0x61: {  	_ =	shalt  }
0x62: {  	_ =	shalt  }
0x63: {  	_ =	shalt  }
0x64: {  	_ =	shalt  }
0x65: {  	_ =	shalt  }
0x66: {  	_ =	shalt  }
0x67: {  	_ =	shalt  }
0x68: {  	_ =	shalt  }
0x69: {  	_ =	shalt  }
0x6a: {  	_ =	shalt  }
0x6b: {  	_ =	shalt  }
0x6c: {  	_ =	shalt  }
0x6d: {  	_ =	shalt  }
0x6e: {  	_ =	shalt  }
0x6f: {  	_ =	shalt  }
0x70: {  	_ =	shalt  }
0x71: {  	_ =	shalt  }
0x72: {  	_ =	shalt  }
0x73: {  	_ =	shalt  }
0x74: {  	_ =	shalt  }
0x75: {  	_ =	shalt  }
0x76: {  	_ =	shalt  }
0x77: {  	_ =	shalt  }
0x78: {  	_ =	shalt  }
0x79: {  	_ =	shalt  }
0x7a: {  	_ =	shalt  }
0x7b: {  	_ =	shalt  }
0x7c: {  	_ =	shalt  }
0x7d: {  	_ =	shalt  }
0x7e: {  	_ =	shalt  }
0x7f: {  	_ =	shalt  }
0x80: {  	_ =	shalt  }
0x81: {  	_ =	shalt  }
0x82: {  	_ =	shalt  }
0x83: {  	_ =	shalt  }
0x84: {  	_ =	shalt  }
0x85: {  	_ =	shalt  }
0x86: {  	_ =	shalt  }
0x87: {  	_ =	shalt  }
.Lfunc_end0:
.L_simem_size_0:
called_computation.2_lowered:
.L_overlay_start_0:
0x88: {  	s2 =	sld [smem:$0x3FD9]  }
0x89: {  	s3 =	sld [smem:$0x3FFE];
	_ =	sdelay $0x1  }
0x8a: {  	s1 =	srdreg.scid  }
0x8b: {  	s0 =	sand.u32 $0x1, s1  }
0x8c: {  	s16 =	sshll.u32 s0, $0xA;
	s2 =	sadd.s32 s3, s2  }
0x8d: {  	s2 =	sadd.s32 s2, s16  }
0x8e: {  	[smem:$0x3FBD] =	sst s2  }
0x8f: {  	_ = 	snop  }
0x90: {  	(tm) =	ssettm $0x1  }
0x91: {  	s17 =	sld [smem:$0x3FFB];
	_ =	sdelay $0x3  }
0x92: {  	_ =	strace s17  }
0x93: {  	s2 =	sld [smem:$0x3FFC];
	_ =	sdelay $0x3  }
0x94: {  	_ =	strace s2  }
0x95: {  	s2 =	sld [smem:$0x3FFD];
	_ =	sdelay $0x3  }
0x96: {  	_ =	strace s2  }
0x97: {  	_ =	strace $0x8FFFFFFF  }
0x98: {  	s18 =	sld [smem:$0x3FDB];
	_ =	sdelay $0x1  }
0x99: {  	s19 =	simm.s32 $_scs_section_size  }
0x9a: {  	s4 =	simm.s32 $_size__tile_overlayer_lowered;
	s5 =	simm.s32 $_tile_overlayer_lowered  }
0x9b: {  	s22 =	simm.s32 $0x1BFF;
	s21 =	sshll.u32 s5, $0x1;
	s2 =	sadd.s32 s19, s18  }
0x9c: {  	s6 =	simm.s32 $0x0;
	s20 =	sshll.u32 s4, $0x1;
	s4 =	sadd.s32 s21, s2  }
0x9d: {  	[timem:s6], [sflag:s22] =	dma.local [hbm:s4], s20  }
0x9e: {  	_ =	swait.ge [sflag:s22], s20  }
0x9f: {  	s3 =	ssub.s32 $0x0, s20;
	[sflag:s22] =	ssyncset.done $0x0  }
0xa0: {  	[sflag:s22] =	ssyncadd.s32 s3;
	_ =	sdelay $0x1  }
0xa1: {  	s23 =	simm.s32 $0x1B8B  }
0xa2: {  	_ =	swait.ge [sflag:s23], $0x1  }
0xa3: {  	[sflag:s23] =	ssyncset.done $0x0  }
0xa4: {  	s25 =	simm.s32 $0x1B8E;
	s24 =	sld [smem:$0x3FFE];
	[sflag:s23] =	ssyncadd.s32 $0xFFFFFFFF  }
0xa5: {  	s26 =	simm.s32 $execute0_lowered;
	[smem:$0x3FD2] =	sst s25  }
0xa6: {  	s4 =	sshll.u32 s26, $0x1;
	_ =	strace $0x8000004C;
	[dreg:$0x1] =	wrdreg $0xFFFFFFFF  }
0xa7: {  	s28 =	simm.s32 $_size_execute0_lowered;
	s2 =	sadd.s32 s2, s4;
	[dreg:$0x0] =	wrdreg $0x0  }
0xa8: {  	s4 =	sshll.u32 s28, $0x1;
	[dreg:$0x2] =	wrdreg s2  }
0xa9: {  	[dreg:$0x3] =	wrdreg s4  }
0xaa: {  	[dreg:$0x4] =	wrdreg $0xC0  }
0xab: {  	_ =	task [dreg:s6], $0x5FFFF  }
0xac: {  	[dreg:$0x1] =	wrdreg $0xFFFFFFFF  }
0xad: {  	[dreg:$0x0] =	wrdreg $0x60  }
0xae: {  	[dreg:$0x2] =	wrdreg s24  }
0xaf: {  	[dreg:$0x3] =	wrdreg $0x82000  }
0xb0: {  	[dreg:$0x4] =	wrdreg $0x9  }
0xb1: {  	_ =	task.clear_ibuf [dreg:s6], $0x5FFFF;
	_ =	strace $0x9000004C  }
0xb2: {  	s29 =	simm.s32 $0x9;
	_ =	strace $0x8000004E  }
0xb3: {  	_ =	swait.ge [sflag:s29], $0x1  }
0xb4: {  	[sflag:s29] =	ssyncadd.s32 $0xFFFFFFFF  }
0xb5: {  	_ =	strace $0x9000004E  }
0xb6: {  	_ =	sfence  }
0xb7: {  	s30 =	sld [smem:$0x0];
	_ =	sdelay $0x2  }
0xb8: {  	s31 =	sshll.u32 s1, $0xD;
	s1 =	sshrl.u32 s1, $0x2  }
0xb9: {  	s3 =	sand.u32 $0x4000, s31;
	s1 =	sadd.s32 s1, s30  }
0xba: {  	s0 =	sor.u32 s3, s0;
	s1 =	sshll.u32 s1, $0x11  }
0xbb: {  	s0 =	sor.u32 s1, s0  }
0xbc: {  	s0 =	sadd.s32 $0x8F2B, s0  }
0xbd: {  	[sflag:s0] =	ssyncadd.remote.s32 $0x1  }
0xbe: {  	_ =	sfence.sel $0xFFFF  }
0xbf: {  	[dreg:$0x0] =	wrdreg $0xFFFFFFFF;
	(pc) =	sbr.abs _section_cstart, $3  }
0xc0: {  	[dreg:$0x1] =	wrdreg $0xFFFFFFFF  }
0xc1: {  	_ =	task.clear_ibuf [dreg:s6], $0x2FFFF;
	_ =	strace $0x9FFFFFFF  }
0xc2: {  	(tm) =	ssettm $0x7FFFFFFF  }
0xc3: {  	_ =	shalt  }
tec
execute0_lowered:
.L_overlay_start_1:
0x0: {  	(tag) =	ssettag $0x1  }
0x1: {  	s6 =	rddreg [dreg:$0x0]  }
0x2: {  	s1 =	rddreg [dreg:$0x1];
	s2 =	srdreg.scid  }
0x3: {  	s3 =	simm.s32 $0x0;
	s20 =	simm.s32 $0x200;
	s21 =	simm.s32 $0x100  }
0x4: {  	s22 =	simm.s32 $0x180;
	s7 =	sand.u32 $0x1, s2;
	s2 =	stileid.u32  }
0x5: {  	s23 =	simm.s32 $0x4200;
	[smem:$0x7FF] =	sst s3;
	s8 =	smul.u32 $0x140000, s7  }
0x6: {  	s4 =	sadd.s32 $0xFE00, s6;
	s16 =	sadd.s32 $0x60600, s6;
	s9 =	smul.u32 $0x14000, s2  }
0x7: {  	s15 =	sadd.s32 $0x3600, s6;
	s5 =	sadd.s32 $0xD600, s6;
	s10 =	smul.u32 $0x50000, s2  }
0x8: {  	_ =	strace $0x8000004D;
	s24 =	sshll.u32 s2, $0x1;
	s29 =	smul.u32 $0x5000, s2  }
0x9: {  	s25 =	ssub.s32 $0x2, s7;
	s30 =	sshll.u32 s2, $0x6;
	s14 =	smul.u32 $0x2800, s7  }
0xa: {  	s26 =	sor.u32 s7, s24;
	s28 =	sshrl.u32 s25, $0x1;
	s24 =	simm.s32 $0x1  }
0xb: {  	s8 =	sadd.s32 s9, s8;
	s10 =	sshrl.u32 s10, $0x2;
	s12 =	ssub.s32 s25, s28  }
0xc: {  	s14 =	sadd.s32 s14, s29;
	s25 =	simm.s32 $0x2;
	s8 =	sshrl.u32 s8, $0x3  }
0xd: {  	s17 =	sadd.s32 s10, s1;
	s10 =	smax.u32 s12, $0x1;
	s18 =	sor.u32 $0x100, s14  }
0xe: {  	s19 =	sor.u32 $0x80, s14;
	s11 =	sadd.s32 s8, s6;
	s8 =	smul.u32 $0x2800, s26  }
0xf: {  	s6 =	sor.u32 $0x1C03, s30;
	s18 =	sshrl.u32 s18, $0x3;
	s31 =	sshrl.u32 s19, $0x3  }
0x10: {  	s17 =	sshrl.u32 s17, $0x3;
	s19 =	simm.s32 $0x80;
	s26 =	simm.s32 $0x0  }
0x11: {  	s9 =	sadd.s32 $0x6A600, s11;
	s14 =	sadd.s32 s18, s16;
	s13 =	sshrl.u32 s8, $0x3  }
0x12: {  	s7 =	sadd.s32 s16, s13;
	s8 =	sadd.s32 s15, s13;
	s13 =	sadd.s32 $0x4F0, s13  }
0x13: {  	s11 =	sadd.s32 s16, s13;
	s12 =	sadd.s32 s15, s13;
	s13 =	sadd.s32 s18, s15  }
0x14: {  	s15 =	sadd.s32 s31, s15;
	s16 =	sadd.s32 s31, s16;
	s18 =	simm.s32 $0x3  }
.LBB2_1:
0x15: {  	[spmem:s17], [sflag:s6] =	dma.local [hbm:s5], $0x2800  }
0x16: {  	_ =	swait.ge [sflag:s18], $0x2800  }
0x17: {  	[sflag:s18] =	ssyncset.done $0x0  }
0x18: {  	[sflag:s18] =	ssyncadd.s32 $0xFFFFD800  }
0x19: {  	[bflag:$0x0] =	sbarrier.arrive $0xFFFF  }
0x1a: {  	[tilespmem:s3], [sflag:$0x3] =	stream.linear.gather [hbm4b:s7+s3], $0x80, $0x38;
	[tilespmem:$0x1C200] =	vst v63  }
0x1b: {  	_ =	swait.ge [sflag:s18], $0x80  }
0x1c: {  	[sflag:s18] =	ssyncset.done $0x0  }
0x1d: {  	[sflag:s18] =	ssyncadd.s32 $0xFFFFFF80  }
0x1e: {  	[tilespmem:s19], [sflag:$0x3] =	stream.linear.gather [hbm4b:s8+s3], $0x80, $0x38;
	[tilespmem:$0x1C200] =	vst v63  }
0x1f: {  	_ =	swait.ge [sflag:s18], $0x80  }
0x20: {  	[sflag:s18] =	ssyncset.done $0x0  }
0x21: {  	[sflag:s18] =	ssyncadd.s32 $0xFFFFFF80  }
0x22: {  	[tilespmem:s20], [sflag:$0x1] =	stream.indirect.gather [hbm4b:s4+s19], $0x80, s3, s19, $0xb8;
	[tilespmem:$0x1C200] =	vst v63  }
0x23: {  	s28 =	sadd.s32 $0x0, s16  }
0x24: {  	[tilespmem:s21], [sflag:$0x3] =	stream.linear.gather [hbm4b:s28+s3], $0x80, $0x38;
	[tilespmem:$0x1C200] =	vst v63  }
0x25: {  	_ =	swait.ge [sflag:s18], $0x80  }
0x26: {  	[sflag:s18] =	ssyncset.done $0x0  }
0x27: {  	s28 =	sadd.s32 $0x0, s15;
	[sflag:s18] =	ssyncadd.s32 $0xFFFFFF80  }
0x28: {  	[tilespmem:s22], [sflag:$0x3] =	stream.linear.gather [hbm4b:s28+s3], $0x80, $0x38;
	[tilespmem:$0x1C200] =	vst v63  }
0x29: {  	_ =	swait.ge [sflag:s18], $0x80  }
0x2a: {  	[sflag:s18] =	ssyncset.done $0x0  }
0x2b: {  	[sflag:s18] =	ssyncadd.s32 $0xFFFFFF80  }
0x2c: {  	[tilespmem:s23], [sflag:$0x2] =	stream.indirect.gather [hbm4b:s4+s19], $0x80, s21, s19, $0xb8;
	[tilespmem:$0x1C200] =	vst v63  }
0x2d: {  	_ =	swait.ge [sflag:s24], $0x4000  }
0x2e: {  	[sflag:s24] =	ssyncset.done $0x0  }
0x2f: {  	[sflag:s24] =	ssyncadd.s32 $0xFFFFC000  }
0x30: {  	[spmem:s1] =	stream.indirect.scatter.add.f32 [tilespmem:s20], [sflag:$0x3], $0x80, s19, s19, $0xb8;
	[tilespmem:$0x1C200] =	vst v63  }
0x31: {  	_ =	swait.ge [sflag:s18], $0x4000  }
0x32: {  	[sflag:s18] =	ssyncset.done $0x0  }
0x33: {  	s28 =	sadd.s32 $0x0, s14;
	[sflag:s18] =	ssyncadd.s32 $0xFFFFC000  }
0x34: {  	[tilespmem:s3], [sflag:$0x3] =	stream.linear.gather [hbm4b:s28+s3], $0x80, $0x38;
	[tilespmem:$0x1C200] =	vst v63  }
0x35: {  	_ =	swait.ge [sflag:s18], $0x80  }
0x36: {  	[sflag:s18] =	ssyncset.done $0x0  }
0x37: {  	s28 =	sadd.s32 $0x0, s13;
	[sflag:s18] =	ssyncadd.s32 $0xFFFFFF80  }
0x38: {  	[tilespmem:s19], [sflag:$0x3] =	stream.linear.gather [hbm4b:s28+s3], $0x80, $0x38;
	[tilespmem:$0x1C200] =	vst v63  }
0x39: {  	_ =	swait.ge [sflag:s18], $0x80  }
0x3a: {  	[sflag:s18] =	ssyncset.done $0x0  }
0x3b: {  	[sflag:s18] =	ssyncadd.s32 $0xFFFFFF80  }
0x3c: {  	[tilespmem:s20], [sflag:$0x1] =	stream.indirect.gather [hbm4b:s4+s19], $0x80, s3, s19, $0xb8;
	[tilespmem:$0x1C200] =	vst v63  }
0x3d: {  	_ =	swait.ge [sflag:s25], $0x4000  }
0x3e: {  	[sflag:s25] =	ssyncset.done $0x0  }
0x3f: {  	[sflag:s25] =	ssyncadd.s32 $0xFFFFC000  }
0x40: {  	[spmem:s1] =	stream.indirect.scatter.add.f32 [tilespmem:s23], [sflag:$0x3], $0x80, s22, s19, $0xb8;
	[tilespmem:$0x1C200] =	vst v63  }
0x41: {  	_ =	swait.ge [sflag:s18], $0x4000  }
0x42: {  	s30 =	simm.s32 $0x40;
	s28 =	simm.s32 $0x20;
	[sflag:s18] =	ssyncset.done $0x0  }
.LBB2_2:
0x43: {  	s31 =	sadd.s32 s28, s16  }
0x44: {  	[sflag:s18] =	ssyncadd.s32 $0xFFFFC000;
	s0 =	smov.u32 s30;
	s29 =	sadd.s32 $0x20, s30  }
0x45: {  	[tilespmem:s21], [sflag:$0x3] =	stream.linear.gather [hbm4b:s31+s3], $0x80, $0x38;
	[tilespmem:$0x1C200] =	vst v63  }
0x46: {  	p0 =	sne.s32 s30, $0x4C0;
	_ =	swait.ge [sflag:s18], $0x80  }
0x47: {  	[sflag:s18] =	ssyncset.done $0x0  }
0x48: {  	s30 =	sadd.s32 s28, s15;
	[sflag:s18] =	ssyncadd.s32 $0xFFFFFF80  }
0x49: {  	[tilespmem:s22], [sflag:$0x3] =	stream.linear.gather [hbm4b:s30+s3], $0x80, $0x38;
	[tilespmem:$0x1C200] =	vst v63  }
0x4a: {  	_ =	swait.ge [sflag:s18], $0x80  }
0x4b: {  	[sflag:s18] =	ssyncset.done $0x0  }
0x4c: {  	[sflag:s18] =	ssyncadd.s32 $0xFFFFFF80  }
0x4d: {  	[tilespmem:s23], [sflag:$0x2] =	stream.indirect.gather [hbm4b:s4+s19], $0x80, s21, s19, $0xb8;
	[tilespmem:$0x1C200] =	vst v63  }
0x4e: {  	_ =	swait.ge [sflag:s24], $0x4000  }
0x4f: {  	[sflag:s24] =	ssyncset.done $0x0  }
0x50: {  	[sflag:s24] =	ssyncadd.s32 $0xFFFFC000  }
0x51: {  	[spmem:s1] =	stream.indirect.scatter.add.f32 [tilespmem:s20], [sflag:$0x3], $0x80, s19, s19, $0xb8;
	[tilespmem:$0x1C200] =	vst v63  }
0x52: {  	_ =	swait.ge [sflag:s18], $0x4000  }
0x53: {  	[sflag:s18] =	ssyncset.done $0x0  }
0x54: {  	s30 =	sadd.s32 s28, s14;
	[sflag:s18] =	ssyncadd.s32 $0xFFFFC000  }
0x55: {  	[tilespmem:s3], [sflag:$0x3] =	stream.linear.gather [hbm4b:s30+s3], $0x80, $0x38;
	[tilespmem:$0x1C200] =	vst v63  }
0x56: {  	_ =	swait.ge [sflag:s18], $0x80  }
0x57: {  	[sflag:s18] =	ssyncset.done $0x0  }
0x58: {  	s30 =	sadd.s32 s28, s13;
	s28 =	smov.u32 s0;
	[sflag:s18] =	ssyncadd.s32 $0xFFFFFF80  }
0x59: {  	[tilespmem:s19], [sflag:$0x3] =	stream.linear.gather [hbm4b:s30+s3], $0x80, $0x38;
	[tilespmem:$0x1C200] =	vst v63  }
0x5a: {  	_ =	swait.ge [sflag:s18], $0x80  }
0x5b: {  	[sflag:s18] =	ssyncset.done $0x0  }
0x5c: {  	[sflag:s18] =	ssyncadd.s32 $0xFFFFFF80  }
0x5d: {  	[tilespmem:s20], [sflag:$0x1] =	stream.indirect.gather [hbm4b:s4+s19], $0x80, s3, s19, $0xb8;
	[tilespmem:$0x1C200] =	vst v63  }
0x5e: {  	_ =	swait.ge [sflag:s25], $0x4000  }
.Ltmp0:
0x5f: {  	[sflag:s25] =	ssyncset.done $0x0;
	(pc) =	sbr.rel @p0 .LBB2_2-.Ltmp0, $4  }
0x60: {  	[sflag:s25] =	ssyncadd.s32 $0xFFFFC000  }
0x61: {  	[spmem:s1] =	stream.indirect.scatter.add.f32 [tilespmem:s23], [sflag:$0x3], $0x80, s22, s19, $0xb8;
	[tilespmem:$0x1C200] =	vst v63  }
0x62: {  	_ =	swait.ge [sflag:s18], $0x4000  }
0x63: {  	s30 =	smov.u32 s29;
	[sflag:s18] =	ssyncset.done $0x0  }
0x64: {  	s0 =	sadd.s32 s28, s16;
	[sflag:s18] =	ssyncadd.s32 $0xFFFFC000  }
0x65: {  	[tilespmem:s21], [sflag:$0x3] =	stream.linear.gather [hbm4b:s0+s3], $0x80, $0x38;
	[tilespmem:$0x1C200] =	vst v63  }
0x66: {  	_ =	swait.ge [sflag:s18], $0x80  }
0x67: {  	[sflag:s18] =	ssyncset.done $0x0  }
0x68: {  	s29 =	sadd.s32 s28, s15;
	[sflag:s18] =	ssyncadd.s32 $0xFFFFFF80  }
0x69: {  	[tilespmem:s22], [sflag:$0x3] =	stream.linear.gather [hbm4b:s29+s3], $0x80, $0x38;
	[tilespmem:$0x1C200] =	vst v63  }
0x6a: {  	_ =	swait.ge [sflag:s18], $0x80  }
0x6b: {  	[sflag:s18] =	ssyncset.done $0x0  }
0x6c: {  	[sflag:s18] =	ssyncadd.s32 $0xFFFFFF80  }
0x6d: {  	[tilespmem:s23], [sflag:$0x2] =	stream.indirect.gather [hbm4b:s4+s19], $0x80, s21, s19, $0xb8;
	[tilespmem:$0x1C200] =	vst v63  }
0x6e: {  	_ =	swait.ge [sflag:s24], $0x4000  }
0x6f: {  	[sflag:s24] =	ssyncset.done $0x0  }
0x70: {  	[sflag:s24] =	ssyncadd.s32 $0xFFFFC000  }
0x71: {  	[spmem:s1] =	stream.indirect.scatter.add.f32 [tilespmem:s20], [sflag:$0x3], $0x80, s19, s19, $0xb8;
	[tilespmem:$0x1C200] =	vst v63  }
0x72: {  	_ =	swait.ge [sflag:s18], $0x4000  }
0x73: {  	[sflag:s18] =	ssyncset.done $0x0  }
0x74: {  	s30 =	sadd.s32 s28, s14;
	[sflag:s18] =	ssyncadd.s32 $0xFFFFC000  }
0x75: {  	[tilespmem:s3], [sflag:$0x3] =	stream.linear.gather [hbm4b:s30+s3], $0x80, $0x38;
	[tilespmem:$0x1C200] =	vst v63  }
0x76: {  	_ =	swait.ge [sflag:s18], $0x80  }
0x77: {  	[sflag:s18] =	ssyncset.done $0x0  }
0x78: {  	s31 =	sadd.s32 s28, s13;
	[sflag:s18] =	ssyncadd.s32 $0xFFFFFF80  }
0x79: {  	[tilespmem:s19], [sflag:$0x3] =	stream.linear.gather [hbm4b:s31+s3], $0x80, $0x38;
	[tilespmem:$0x1C200] =	vst v63  }
0x7a: {  	_ =	swait.ge [sflag:s18], $0x80  }
0x7b: {  	[sflag:s18] =	ssyncset.done $0x0  }
0x7c: {  	[sflag:s18] =	ssyncadd.s32 $0xFFFFFF80  }
0x7d: {  	[tilespmem:s20], [sflag:$0x1] =	stream.indirect.gather [hbm4b:s4+s19], $0x80, s3, s19, $0xb8;
	[tilespmem:$0x1C200] =	vst v63  }
0x7e: {  	_ =	swait.ge [sflag:s25], $0x4000  }
0x7f: {  	[sflag:s25] =	ssyncset.done $0x0  }
0x80: {  	[sflag:s25] =	ssyncadd.s32 $0xFFFFC000  }
0x81: {  	[spmem:s1] =	stream.indirect.scatter.add.f32 [tilespmem:s23], [sflag:$0x3], $0x80, s22, s19, $0xb8;
	[tilespmem:$0x1C200] =	vst v63  }
0x82: {  	_ =	swait.ge [sflag:s18], $0x4000  }
0x83: {  	[sflag:s18] =	ssyncset.done $0x0  }
0x84: {  	[sflag:s18] =	ssyncadd.s32 $0xFFFFC000  }
0x85: {  	[tilespmem:s21], [sflag:$0x3] =	stream.linear.gather [hbm4b:s11+s3], $0x80, $0x38;
	[tilespmem:$0x1C200] =	vst v63  }
0x86: {  	_ =	swait.ge [sflag:s18], $0x80  }
0x87: {  	[sflag:s18] =	ssyncset.done $0x0  }
0x88: {  	[sflag:s18] =	ssyncadd.s32 $0xFFFFFF80  }
0x89: {  	[tilespmem:s22], [sflag:$0x3] =	stream.linear.gather [hbm4b:s12+s3], $0x80, $0x38;
	[tilespmem:$0x1C200] =	vst v63  }
0x8a: {  	_ =	swait.ge [sflag:s18], $0x80  }
0x8b: {  	[sflag:s18] =	ssyncset.done $0x0  }
0x8c: {  	[sflag:s18] =	ssyncadd.s32 $0xFFFFFF80  }
0x8d: {  	[tilespmem:s23], [sflag:$0x2] =	stream.indirect.gather [hbm4b:s4+s19], $0x80, s21, s19, $0xb8;
	[tilespmem:$0x1C200] =	vst v63  }
0x8e: {  	_ =	swait.ge [sflag:s24], $0x4000  }
0x8f: {  	[sflag:s24] =	ssyncset.done $0x0  }
0x90: {  	[sflag:s24] =	ssyncadd.s32 $0xFFFFC000  }
0x91: {  	[spmem:s1] =	stream.indirect.scatter.add.f32 [tilespmem:s20], [sflag:$0x3], $0x80, s19, s19, $0xb8;
	[tilespmem:$0x1C200] =	vst v63  }
0x92: {  	_ =	swait.ge [sflag:s18], $0x4000  }
0x93: {  	[sflag:s18] =	ssyncset.done $0x0  }
0x94: {  	[sflag:s18] =	ssyncadd.s32 $0xFFFFC000  }
0x95: {  	_ =	swait.ge [sflag:s25], $0x4000  }
0x96: {  	[sflag:s25] =	ssyncset.done $0x0  }
0x97: {  	[sflag:s25] =	ssyncadd.s32 $0xFFFFC000  }
0x98: {  	[spmem:s1] =	stream.indirect.scatter.add.f32 [tilespmem:s23], [sflag:$0x3], $0x80, s22, s19, $0xb8;
	[tilespmem:$0x1C200] =	vst v63  }
0x99: {  	_ =	swait.ge [sflag:s18], $0x4000  }
0x9a: {  	s26 =	sadd.s32 $0x1, s26;
	[sflag:s18] =	ssyncset.done $0x0  }
0x9b: {  	p0 =	sne.s32 s26, s10;
	[sflag:s18] =	ssyncadd.s32 $0xFFFFC000  }
.Ltmp1:
0x9c: {  	[bflag:$0x0] =	sbarrier.arrive $0xFFFF;
	(pc) =	sbr.rel @p0 .LBB2_1-.Ltmp1, $4  }
0x9d: {  	[hbm:s9], [sflag:s6] =	dma.local [spmem:s17], $0x2800  }
0x9e: {  	_ =	swait.ge [sflag:s18], $0x2800  }
0x9f: {  	[sflag:s18] =	ssyncset.done $0x0  }
0xa0: {  	[sflag:s18] =	ssyncadd.s32 $0xFFFFD800  }
0xa1: {  	_ =	sfence.sel $0x180000  }
0xa2: {  	[bflag:$0x0] =	sbarrier.arrive $0xFFFF  }
0xa3: {  	_ =	strace $0x9000004D  }
0xa4: {  	[bflag:$0x2] =	sbarrier.arrive $0xFFFF  }
0xa5: {  	p0 =	sne.s32 s2, $0x0;
	s0 =	rddreg [dreg:$0x2]  }
0xa6: {  	s0 =	sadd.s32 @!p0 $0x100000, s0  }
0xa7: {  	[sflag:s0] =	ssyncadd.tile.s32 @!p0 $0x1;
	_ =	shalt  }
.Lfunc_end2:
_tile_overlayer_lowered:
.L_overlay_start_2:
0xa8: {  	(tag) =	ssettag $0x2  }
0xa9: {  	s0 =	rddreg [dreg:$0x0];
	s2 =	stileid.u32  }
0xaa: {  	s1 =	rddreg [dreg:$0x1];
	p0 =	sne.s32 s2, $0x0  }
0xab: {  	s3 =	rddreg [dreg:$0x2];
	[bflag:$0x3] =	sbarrier.arrive $0xFFFF;
	s2 =	simm.s32 @!p0 $0x1C03  }
0xac: {  	[timem:s3], [sflag:s2] =	dma.local @!p0 [hbm:s0], s1  }
0xad: {  	s0 =	simm.s32 @!p0 $0x3  }
0xae: {  	_ =	swait.ge @!p0 [sflag:s0], s1  }
0xaf: {  	s1 =	ssub.s32 @!p0 $0x0, s1;
	[sflag:s0] =	ssyncset.done @!p0 $0x0  }
0xb0: {  	[sflag:s0] =	ssyncadd.s32 @!p0 s1  }
0xb1: {  	[bflag:$0x3] =	sbarrier.arrive $0xFFFF  }
0xb2: {  	_ =	shalt  }

// kernel: kernel.19.cloned.1.call-start
scs
__scs_entry_jumppad:
0x0: {  	(pc) =	sbr.rel $0x88, $3  }
0x1: {  	(tag) =	ssettag $0x0;
	lr =	simm.s32 $0x1  }
0x2: {  	[smem:$0x3F96] =	sst lr;
	_ =	strace $0xD0000000  }
0x3: {  	_ = 	snop  }
0x4: {  	_ = 	snop  }
0x5: {  	_ = 	snop  }
0x6: {  	_ = 	snop  }
0x7: {  	_ = 	snop  }
__scs_overlays_trampoline_lowered:
0x8: {  	[smem:$0x3FA5] =	sst s0  }
0x9: {  	[smem:$0x3FA6] =	sst s1  }
0xa: {  	[smem:$0x3FA7] =	sst s2  }
0xb: {  	[smem:$0x3FA8] =	sst s3  }
0xc: {  	[smem:$0x3FA9] =	sst s4  }
0xd: {  	[smem:$0x3FAA] =	sst s5  }
0xe: {  	[smem:$0x3FAB] =	sst s6  }
0xf: {  	[smem:$0x3FAC] =	sst s7  }
0x10: {  	[smem:$0x3FAD] =	sst s8  }
0x11: {  	[smem:$0x3FAE] =	sst s9;
	s0 =	simm.s32 @!p0 $0x0  }
0x12: {  	s1 =	sld [smem:$0x3F94];
	s0 =	simm.s32 @p0 $0x1  }
0x13: {  	[smem:$0x3FAF] =	sst s0;
	s0 =	simm.s32 @!p1 $0x0  }
0x14: {  	s2 =	sld [smem:$0x3F93];
	s0 =	simm.s32 @p1 $0x1  }
0x15: {  	[smem:$0x3FB0] =	sst s0;
	s0 =	simm.s32 @!p2 $0x0  }
0x16: {  	s3 =	sld [smem:$0x3FDB];
	s0 =	simm.s32 @p2 $0x1  }
0x17: {  	s4 =	simm.s32 $0x1BF5;
	[smem:$0x3FB2] =	sst s0  }
0x18: {  	s0 =	sld [smem:$0x3F95];
	_ =	swait.ge [sflag:s4], $0x0  }
0x19: {  	s7 =	sld [smem:$0x3F96]  }
0x1a: {  	s8 =	sadd.s32 $0xFFFFE003, lr  }
0x1b: {  	s9 =	sadd.s32 $0xFFFFFEF7, lr;
	s5 =	simm.s32 $0xFFFFFFFF;
	p2 =	slt.u32 s8, $0xFFFFF086  }
0x1c: {  	p1 =	slt.u32 s9, $0xF7A;
	s5 =	simm.s32 @!p2 $0x0  }
0x1d: {  	s5 =	simm.s32 @p1 $0x1;
	p0 =	seq.s32 s7, s2  }
0x1e: {  	s7 =	smul.u32 @!p0 $0xF7A, s2;
	p2 =	seq.s32 @!p0 s5, $0x0  }
0x1f: {  	s9 =	smul.u32 $0xF7A, s1;
	s8 =	simm.s32 @!p0 $0x1BF5;
	p2 =	por !p2, p0  }
0x20: {  	[sflag:s8] =	ssyncset.s32 @!p0 $0xFFFFF086;
	s6 =	sadd.s32 @!p0 s3, s7;
	s7 =	simm.s32 @!p0 $0x108  }
0x21: {  	s3 =	sadd.s32 s3, s9;
	s6 =	sadd.s32 @!p0 $0x88, s6;
	s7 =	simm.s32 @p2 $0x1082  }
0x22: {  	[simem:s7], [sflag:s8] =	dma.local @!p0 [hbm:s6], $0xF7A  }
0x23: {  	s9 =	sor.u32 $0xD0000000, s2;
	s6 =	simm.s32 $0x108;
	_ =	swait.ge @!p0 [sflag:s8], $0x0  }
0x24: {  	s3 =	sadd.s32 $0x88, s3;
	s6 =	simm.s32 @!p1 $0x1082;
	[sflag:s4] =	ssyncset.s32 $0xFFFFF086  }
0x25: {  	[simem:s6], [sflag:s4] =	dma.local [hbm:s3], $0xF7A  }
0x26: {  	[smem:$0x3F96] =	sst s1;
	(tag) =	ssettag s2;
	_ =	strace s9  }
0x27: {  	s1 =	sld [smem:$0x3FA6]  }
0x28: {  	s2 =	sld [smem:$0x3FA7]  }
0x29: {  	s4 =	sld [smem:$0x3FA9]  }
0x2a: {  	p0 =	seq.s32 s5, $0x0;
	s5 =	sld [smem:$0x3FAA]  }
0x2b: {  	s6 =	sld [smem:$0x3FAB]  }
0x2c: {  	s7 =	sld [smem:$0x3FAC]  }
0x2d: {  	s3 =	simm.s32 $0x108;
	s8 =	sld [smem:$0x3FAD]  }
0x2e: {  	s3 =	simm.s32 @!p0 $0x1082;
	s9 =	sld [smem:$0x3FAE]  }
0x2f: {  	lr =	sadd.s32 s0, s3;
	s0 =	sld [smem:$0x3FA5]  }
0x30: {  	s3 =	sld [smem:$0x3FA8]  }
0x31: {  	[smem:$0x3FB1] =	sst s10  }
0x32: {  	s10 =	sld [smem:$0x3FAF];
	_ =	sdelay $0x3  }
0x33: {  	p0 =	seq.s32 s10, $0x1;
	s10 =	sld [smem:$0x3FB1];
	_ =	sdelay $0x3  }
0x34: {  	[smem:$0x3FB1] =	sst s10  }
0x35: {  	s10 =	sld [smem:$0x3FB0];
	_ =	sdelay $0x3  }
0x36: {  	p1 =	seq.s32 s10, $0x1;
	s10 =	sld [smem:$0x3FB1];
	_ =	sdelay $0x3  }
0x37: {  	[smem:$0x3FB1] =	sst s10  }
0x38: {  	s10 =	sld [smem:$0x3FB2]  }
0x39: {  	_ = 	snop;
	(pc) =	sbr.ind lr, $3  }
0x3a: {  	_ = 	snop  }
0x3b: {  	_ = 	snop  }
0x3c: {  	p2 =	seq.s32 s10, $0x1;
	s10 =	sld [smem:$0x3FB1]  }
0x3d: {  	_ =	shalt  }
0x3e: {  	_ =	shalt  }
0x3f: {  	_ =	shalt  }
0x40: {  	_ =	shalt  }
0x41: {  	_ =	shalt  }
0x42: {  	_ =	shalt  }
0x43: {  	_ =	shalt  }
0x44: {  	_ =	shalt  }
0x45: {  	_ =	shalt  }
0x46: {  	_ =	shalt  }
0x47: {  	_ =	shalt  }
0x48: {  	_ =	shalt  }
0x49: {  	_ =	shalt  }
0x4a: {  	_ =	shalt  }
0x4b: {  	_ =	shalt  }
0x4c: {  	_ =	shalt  }
0x4d: {  	_ =	shalt  }
0x4e: {  	_ =	shalt  }
0x4f: {  	_ =	shalt  }
0x50: {  	_ =	shalt  }
0x51: {  	_ =	shalt  }
0x52: {  	_ =	shalt  }
0x53: {  	_ =	shalt  }
0x54: {  	_ =	shalt  }
0x55: {  	_ =	shalt  }
0x56: {  	_ =	shalt  }
0x57: {  	_ =	shalt  }
0x58: {  	_ =	shalt  }
0x59: {  	_ =	shalt  }
0x5a: {  	_ =	shalt  }
0x5b: {  	_ =	shalt  }
0x5c: {  	_ =	shalt  }
0x5d: {  	_ =	shalt  }
0x5e: {  	_ =	shalt  }
0x5f: {  	_ =	shalt  }
0x60: {  	_ =	shalt  }
0x61: {  	_ =	shalt  }
0x62: {  	_ =	shalt  }
0x63: {  	_ =	shalt  }
0x64: {  	_ =	shalt  }
0x65: {  	_ =	shalt  }
0x66: {  	_ =	shalt  }
0x67: {  	_ =	shalt  }
0x68: {  	_ =	shalt  }
0x69: {  	_ =	shalt  }
0x6a: {  	_ =	shalt  }
0x6b: {  	_ =	shalt  }
0x6c: {  	_ =	shalt  }
0x6d: {  	_ =	shalt  }
0x6e: {  	_ =	shalt  }
0x6f: {  	_ =	shalt  }
0x70: {  	_ =	shalt  }
0x71: {  	_ =	shalt  }
0x72: {  	_ =	shalt  }
0x73: {  	_ =	shalt  }
0x74: {  	_ =	shalt  }
0x75: {  	_ =	shalt  }
0x76: {  	_ =	shalt  }
0x77: {  	_ =	shalt  }
0x78: {  	_ =	shalt  }
0x79: {  	_ =	shalt  }
0x7a: {  	_ =	shalt  }
0x7b: {  	_ =	shalt  }
0x7c: {  	_ =	shalt  }
0x7d: {  	_ =	shalt  }
0x7e: {  	_ =	shalt  }
0x7f: {  	_ =	shalt  }
0x80: {  	_ =	shalt  }
0x81: {  	_ =	shalt  }
0x82: {  	_ =	shalt  }
0x83: {  	_ =	shalt  }
0x84: {  	_ =	shalt  }
0x85: {  	_ =	shalt  }
0x86: {  	_ =	shalt  }
0x87: {  	_ =	shalt  }
.Lfunc_end0:
.L_simem_size_0:
called_computation.3_lowered:
.L_overlay_start_0:
0x88: {  	s2 =	sld [smem:$0x3FD9]  }
0x89: {  	s3 =	sld [smem:$0x3FFE];
	_ =	sdelay $0x1  }
0x8a: {  	s1 =	srdreg.scid  }
0x8b: {  	s0 =	sand.u32 $0x1, s1  }
0x8c: {  	s16 =	sshll.u32 s0, $0xA;
	s2 =	sadd.s32 s3, s2  }
0x8d: {  	s2 =	sadd.s32 s2, s16  }
0x8e: {  	[smem:$0x3FBD] =	sst s2  }
0x8f: {  	_ = 	snop  }
0x90: {  	(tm) =	ssettm $0x1  }
0x91: {  	s17 =	sld [smem:$0x3FFB];
	_ =	sdelay $0x3  }
0x92: {  	_ =	strace s17  }
0x93: {  	s2 =	sld [smem:$0x3FFC];
	_ =	sdelay $0x3  }
0x94: {  	_ =	strace s2  }
0x95: {  	s2 =	sld [smem:$0x3FFD];
	_ =	sdelay $0x3  }
0x96: {  	_ =	strace s2  }
0x97: {  	_ =	strace $0x8FFFFFFF  }
0x98: {  	s18 =	sld [smem:$0x3FDB];
	_ =	sdelay $0x1  }
0x99: {  	s19 =	simm.s32 $_scs_section_size  }
0x9a: {  	s4 =	simm.s32 $_size__tile_overlayer_lowered;
	s5 =	simm.s32 $_tile_overlayer_lowered  }
0x9b: {  	s22 =	simm.s32 $0x1BFF;
	s21 =	sshll.u32 s5, $0x1;
	s2 =	sadd.s32 s19, s18  }
0x9c: {  	s6 =	simm.s32 $0x0;
	s20 =	sshll.u32 s4, $0x1;
	s4 =	sadd.s32 s21, s2  }
0x9d: {  	[timem:s6], [sflag:s22] =	dma.local [hbm:s4], s20  }
0x9e: {  	_ =	swait.ge [sflag:s22], s20  }
0x9f: {  	s3 =	ssub.s32 $0x0, s20;
	[sflag:s22] =	ssyncset.done $0x0  }
0xa0: {  	[sflag:s22] =	ssyncadd.s32 s3;
	_ =	sdelay $0x1  }
0xa1: {  	s23 =	simm.s32 $0x1B8B  }
0xa2: {  	_ =	swait.ge [sflag:s23], $0x1  }
0xa3: {  	[sflag:s23] =	ssyncset.done $0x0  }
0xa4: {  	s25 =	simm.s32 $0x1B8E;
	s24 =	sld [smem:$0x3FFE];
	[sflag:s23] =	ssyncadd.s32 $0xFFFFFFFF  }
0xa5: {  	s26 =	simm.s32 $execute0_lowered;
	[smem:$0x3FD2] =	sst s25  }
0xa6: {  	s4 =	sshll.u32 s26, $0x1;
	_ =	strace $0x8000004F;
	[dreg:$0x1] =	wrdreg $0xFFFFFFFF  }
0xa7: {  	s28 =	simm.s32 $_size_execute0_lowered;
	s2 =	sadd.s32 s2, s4;
	[dreg:$0x0] =	wrdreg $0x0  }
0xa8: {  	s4 =	sshll.u32 s28, $0x1;
	[dreg:$0x2] =	wrdreg s2  }
0xa9: {  	[dreg:$0x3] =	wrdreg s4  }
0xaa: {  	[dreg:$0x4] =	wrdreg $0xC0  }
0xab: {  	_ =	task [dreg:s6], $0x5FFFF  }
0xac: {  	[dreg:$0x1] =	wrdreg $0xFFFFFFFF  }
0xad: {  	[dreg:$0x0] =	wrdreg $0x60  }
0xae: {  	[dreg:$0x2] =	wrdreg s24  }
0xaf: {  	[dreg:$0x3] =	wrdreg $0x82000  }
0xb0: {  	[dreg:$0x4] =	wrdreg $0x9  }
0xb1: {  	_ =	task.clear_ibuf [dreg:s6], $0x5FFFF;
	_ =	strace $0x9000004F  }
0xb2: {  	s29 =	simm.s32 $0x9;
	_ =	strace $0x80000051  }
0xb3: {  	_ =	swait.ge [sflag:s29], $0x1  }
0xb4: {  	[sflag:s29] =	ssyncadd.s32 $0xFFFFFFFF  }
0xb5: {  	_ =	strace $0x90000051  }
0xb6: {  	_ =	sfence  }
0xb7: {  	s30 =	sld [smem:$0x0];
	_ =	sdelay $0x2  }
0xb8: {  	s31 =	sshll.u32 s1, $0xD;
	s1 =	sshrl.u32 s1, $0x2  }
0xb9: {  	s3 =	sand.u32 $0x4000, s31;
	s1 =	sadd.s32 s1, s30  }
0xba: {  	s0 =	sor.u32 s3, s0;
	s1 =	sshll.u32 s1, $0x11  }
0xbb: {  	s0 =	sor.u32 s1, s0  }
0xbc: {  	s0 =	sadd.s32 $0x8F2B, s0  }
0xbd: {  	[sflag:s0] =	ssyncadd.remote.s32 $0x1  }
0xbe: {  	_ =	sfence.sel $0xFFFF  }
0xbf: {  	[dreg:$0x0] =	wrdreg $0xFFFFFFFF;
	(pc) =	sbr.abs _section_cstart, $3  }
0xc0: {  	[dreg:$0x1] =	wrdreg $0xFFFFFFFF  }
0xc1: {  	_ =	task.clear_ibuf [dreg:s6], $0x2FFFF;
	_ =	strace $0x9FFFFFFF  }
0xc2: {  	(tm) =	ssettm $0x7FFFFFFF  }
0xc3: {  	_ =	shalt  }
tec
execute0_lowered:
.L_overlay_start_1:
0x0: {  	(tag) =	ssettag $0x1  }
0x1: {  	s6 =	rddreg [dreg:$0x0]  }
0x2: {  	s1 =	rddreg [dreg:$0x1];
	s2 =	srdreg.scid  }
0x3: {  	s3 =	simm.s32 $0x0;
	s20 =	simm.s32 $0x200;
	s21 =	simm.s32 $0x100  }
0x4: {  	s22 =	simm.s32 $0x180;
	s7 =	sand.u32 $0x1, s2;
	s2 =	stileid.u32  }
0x5: {  	s23 =	simm.s32 $0x4200;
	[smem:$0x7FF] =	sst s3;
	s8 =	smul.u32 $0x140000, s7  }
0x6: {  	s4 =	sadd.s32 $0xFE00, s6;
	s16 =	sadd.s32 $0x60600, s6;
	s9 =	smul.u32 $0x14000, s2  }
0x7: {  	s15 =	sadd.s32 $0x3600, s6;
	s5 =	sadd.s32 $0xD600, s6;
	s10 =	smul.u32 $0x50000, s2  }
0x8: {  	_ =	strace $0x80000050;
	s24 =	sshll.u32 s2, $0x1;
	s29 =	smul.u32 $0x5000, s2  }
0x9: {  	s25 =	ssub.s32 $0x2, s7;
	s30 =	sshll.u32 s2, $0x6;
	s14 =	smul.u32 $0x2800, s7  }
0xa: {  	s26 =	sor.u32 s7, s24;
	s28 =	sshrl.u32 s25, $0x1;
	s24 =	simm.s32 $0x1  }
0xb: {  	s8 =	sadd.s32 s9, s8;
	s10 =	sshrl.u32 s10, $0x2;
	s12 =	ssub.s32 s25, s28  }
0xc: {  	s14 =	sadd.s32 s14, s29;
	s25 =	simm.s32 $0x2;
	s8 =	sshrl.u32 s8, $0x3  }
0xd: {  	s17 =	sadd.s32 s10, s1;
	s10 =	smax.u32 s12, $0x1;
	s18 =	sor.u32 $0x100, s14  }
0xe: {  	s19 =	sor.u32 $0x80, s14;
	s11 =	sadd.s32 s8, s6;
	s8 =	smul.u32 $0x2800, s26  }
0xf: {  	s6 =	sor.u32 $0x1C03, s30;
	s18 =	sshrl.u32 s18, $0x3;
	s31 =	sshrl.u32 s19, $0x3  }
0x10: {  	s17 =	sshrl.u32 s17, $0x3;
	s19 =	simm.s32 $0x80;
	s26 =	simm.s32 $0x0  }
0x11: {  	s9 =	sadd.s32 $0x6A600, s11;
	s14 =	sadd.s32 s18, s16;
	s13 =	sshrl.u32 s8, $0x3  }
0x12: {  	s7 =	sadd.s32 s16, s13;
	s8 =	sadd.s32 s15, s13;
	s13 =	sadd.s32 $0x4F0, s13  }
0x13: {  	s11 =	sadd.s32 s16, s13;
	s12 =	sadd.s32 s15, s13;
	s13 =	sadd.s32 s18, s15  }
0x14: {  	s15 =	sadd.s32 s31, s15;
	s16 =	sadd.s32 s31, s16;
	s18 =	simm.s32 $0x3  }
.LBB2_1:
0x15: {  	[spmem:s17], [sflag:s6] =	dma.local [hbm:s5], $0x2800  }
0x16: {  	_ =	swait.ge [sflag:s18], $0x2800  }
0x17: {  	[sflag:s18] =	ssyncset.done $0x0  }
0x18: {  	[sflag:s18] =	ssyncadd.s32 $0xFFFFD800  }
0x19: {  	[bflag:$0x0] =	sbarrier.arrive $0xFFFF  }
0x1a: {  	[tilespmem:s3], [sflag:$0x3] =	stream.linear.gather [hbm4b:s7+s3], $0x80, $0x38;
	[tilespmem:$0x1C200] =	vst v63  }
0x1b: {  	_ =	swait.ge [sflag:s18], $0x80  }
0x1c: {  	[sflag:s18] =	ssyncset.done $0x0  }
0x1d: {  	[sflag:s18] =	ssyncadd.s32 $0xFFFFFF80  }
0x1e: {  	[tilespmem:s19], [sflag:$0x3] =	stream.linear.gather [hbm4b:s8+s3], $0x80, $0x38;
	[tilespmem:$0x1C200] =	vst v63  }
0x1f: {  	_ =	swait.ge [sflag:s18], $0x80  }
0x20: {  	[sflag:s18] =	ssyncset.done $0x0  }
0x21: {  	[sflag:s18] =	ssyncadd.s32 $0xFFFFFF80  }
0x22: {  	[tilespmem:s20], [sflag:$0x1] =	stream.indirect.gather [hbm4b:s4+s19], $0x80, s3, s19, $0xb8;
	[tilespmem:$0x1C200] =	vst v63  }
0x23: {  	s28 =	sadd.s32 $0x0, s16  }
0x24: {  	[tilespmem:s21], [sflag:$0x3] =	stream.linear.gather [hbm4b:s28+s3], $0x80, $0x38;
	[tilespmem:$0x1C200] =	vst v63  }
0x25: {  	_ =	swait.ge [sflag:s18], $0x80  }
0x26: {  	[sflag:s18] =	ssyncset.done $0x0  }
0x27: {  	s28 =	sadd.s32 $0x0, s15;
	[sflag:s18] =	ssyncadd.s32 $0xFFFFFF80  }
0x28: {  	[tilespmem:s22], [sflag:$0x3] =	stream.linear.gather [hbm4b:s28+s3], $0x80, $0x38;
	[tilespmem:$0x1C200] =	vst v63  }
0x29: {  	_ =	swait.ge [sflag:s18], $0x80  }
0x2a: {  	[sflag:s18] =	ssyncset.done $0x0  }
0x2b: {  	[sflag:s18] =	ssyncadd.s32 $0xFFFFFF80  }
0x2c: {  	[tilespmem:s23], [sflag:$0x2] =	stream.indirect.gather [hbm4b:s4+s19], $0x80, s21, s19, $0xb8;
	[tilespmem:$0x1C200] =	vst v63  }
0x2d: {  	_ =	swait.ge [sflag:s24], $0x4000  }
0x2e: {  	[sflag:s24] =	ssyncset.done $0x0  }
0x2f: {  	[sflag:s24] =	ssyncadd.s32 $0xFFFFC000  }
0x30: {  	[spmem:s1] =	stream.indirect.scatter.add.f32 [tilespmem:s20], [sflag:$0x3], $0x80, s19, s19, $0xb8;
	[tilespmem:$0x1C200] =	vst v63  }
0x31: {  	_ =	swait.ge [sflag:s18], $0x4000  }
0x32: {  	[sflag:s18] =	ssyncset.done $0x0  }
0x33: {  	s28 =	sadd.s32 $0x0, s14;
	[sflag:s18] =	ssyncadd.s32 $0xFFFFC000  }
0x34: {  	[tilespmem:s3], [sflag:$0x3] =	stream.linear.gather [hbm4b:s28+s3], $0x80, $0x38;
	[tilespmem:$0x1C200] =	vst v63  }
0x35: {  	_ =	swait.ge [sflag:s18], $0x80  }
0x36: {  	[sflag:s18] =	ssyncset.done $0x0  }
0x37: {  	s28 =	sadd.s32 $0x0, s13;
	[sflag:s18] =	ssyncadd.s32 $0xFFFFFF80  }
0x38: {  	[tilespmem:s19], [sflag:$0x3] =	stream.linear.gather [hbm4b:s28+s3], $0x80, $0x38;
	[tilespmem:$0x1C200] =	vst v63  }
0x39: {  	_ =	swait.ge [sflag:s18], $0x80  }
0x3a: {  	[sflag:s18] =	ssyncset.done $0x0  }
0x3b: {  	[sflag:s18] =	ssyncadd.s32 $0xFFFFFF80  }
0x3c: {  	[tilespmem:s20], [sflag:$0x1] =	stream.indirect.gather [hbm4b:s4+s19], $0x80, s3, s19, $0xb8;
	[tilespmem:$0x1C200] =	vst v63  }
0x3d: {  	_ =	swait.ge [sflag:s25], $0x4000  }
0x3e: {  	[sflag:s25] =	ssyncset.done $0x0  }
0x3f: {  	[sflag:s25] =	ssyncadd.s32 $0xFFFFC000  }
0x40: {  	[spmem:s1] =	stream.indirect.scatter.add.f32 [tilespmem:s23], [sflag:$0x3], $0x80, s22, s19, $0xb8;
	[tilespmem:$0x1C200] =	vst v63  }
0x41: {  	_ =	swait.ge [sflag:s18], $0x4000  }
0x42: {  	s30 =	simm.s32 $0x40;
	s28 =	simm.s32 $0x20;
	[sflag:s18] =	ssyncset.done $0x0  }
.LBB2_2:
0x43: {  	s31 =	sadd.s32 s28, s16  }
0x44: {  	[sflag:s18] =	ssyncadd.s32 $0xFFFFC000;
	s0 =	smov.u32 s30;
	s29 =	sadd.s32 $0x20, s30  }
0x45: {  	[tilespmem:s21], [sflag:$0x3] =	stream.linear.gather [hbm4b:s31+s3], $0x80, $0x38;
	[tilespmem:$0x1C200] =	vst v63  }
0x46: {  	p0 =	sne.s32 s30, $0x4C0;
	_ =	swait.ge [sflag:s18], $0x80  }
0x47: {  	[sflag:s18] =	ssyncset.done $0x0  }
0x48: {  	s30 =	sadd.s32 s28, s15;
	[sflag:s18] =	ssyncadd.s32 $0xFFFFFF80  }
0x49: {  	[tilespmem:s22], [sflag:$0x3] =	stream.linear.gather [hbm4b:s30+s3], $0x80, $0x38;
	[tilespmem:$0x1C200] =	vst v63  }
0x4a: {  	_ =	swait.ge [sflag:s18], $0x80  }
0x4b: {  	[sflag:s18] =	ssyncset.done $0x0  }
0x4c: {  	[sflag:s18] =	ssyncadd.s32 $0xFFFFFF80  }
0x4d: {  	[tilespmem:s23], [sflag:$0x2] =	stream.indirect.gather [hbm4b:s4+s19], $0x80, s21, s19, $0xb8;
	[tilespmem:$0x1C200] =	vst v63  }
0x4e: {  	_ =	swait.ge [sflag:s24], $0x4000  }
0x4f: {  	[sflag:s24] =	ssyncset.done $0x0  }
0x50: {  	[sflag:s24] =	ssyncadd.s32 $0xFFFFC000  }
0x51: {  	[spmem:s1] =	stream.indirect.scatter.add.f32 [tilespmem:s20], [sflag:$0x3], $0x80, s19, s19, $0xb8;
	[tilespmem:$0x1C200] =	vst v63  }
0x52: {  	_ =	swait.ge [sflag:s18], $0x4000  }
0x53: {  	[sflag:s18] =	ssyncset.done $0x0  }
0x54: {  	s30 =	sadd.s32 s28, s14;
	[sflag:s18] =	ssyncadd.s32 $0xFFFFC000  }
0x55: {  	[tilespmem:s3], [sflag:$0x3] =	stream.linear.gather [hbm4b:s30+s3], $0x80, $0x38;
	[tilespmem:$0x1C200] =	vst v63  }
0x56: {  	_ =	swait.ge [sflag:s18], $0x80  }
0x57: {  	[sflag:s18] =	ssyncset.done $0x0  }
0x58: {  	s30 =	sadd.s32 s28, s13;
	s28 =	smov.u32 s0;
	[sflag:s18] =	ssyncadd.s32 $0xFFFFFF80  }
0x59: {  	[tilespmem:s19], [sflag:$0x3] =	stream.linear.gather [hbm4b:s30+s3], $0x80, $0x38;
	[tilespmem:$0x1C200] =	vst v63  }
0x5a: {  	_ =	swait.ge [sflag:s18], $0x80  }
0x5b: {  	[sflag:s18] =	ssyncset.done $0x0  }
0x5c: {  	[sflag:s18] =	ssyncadd.s32 $0xFFFFFF80  }
0x5d: {  	[tilespmem:s20], [sflag:$0x1] =	stream.indirect.gather [hbm4b:s4+s19], $0x80, s3, s19, $0xb8;
	[tilespmem:$0x1C200] =	vst v63  }
0x5e: {  	_ =	swait.ge [sflag:s25], $0x4000  }
.Ltmp0:
0x5f: {  	[sflag:s25] =	ssyncset.done $0x0;
	(pc) =	sbr.rel @p0 .LBB2_2-.Ltmp0, $4  }
0x60: {  	[sflag:s25] =	ssyncadd.s32 $0xFFFFC000  }
0x61: {  	[spmem:s1] =	stream.indirect.scatter.add.f32 [tilespmem:s23], [sflag:$0x3], $0x80, s22, s19, $0xb8;
	[tilespmem:$0x1C200] =	vst v63  }
0x62: {  	_ =	swait.ge [sflag:s18], $0x4000  }
0x63: {  	s30 =	smov.u32 s29;
	[sflag:s18] =	ssyncset.done $0x0  }
0x64: {  	s0 =	sadd.s32 s28, s16;
	[sflag:s18] =	ssyncadd.s32 $0xFFFFC000  }
0x65: {  	[tilespmem:s21], [sflag:$0x3] =	stream.linear.gather [hbm4b:s0+s3], $0x80, $0x38;
	[tilespmem:$0x1C200] =	vst v63  }
0x66: {  	_ =	swait.ge [sflag:s18], $0x80  }
0x67: {  	[sflag:s18] =	ssyncset.done $0x0  }
0x68: {  	s29 =	sadd.s32 s28, s15;
	[sflag:s18] =	ssyncadd.s32 $0xFFFFFF80  }
0x69: {  	[tilespmem:s22], [sflag:$0x3] =	stream.linear.gather [hbm4b:s29+s3], $0x80, $0x38;
	[tilespmem:$0x1C200] =	vst v63  }
0x6a: {  	_ =	swait.ge [sflag:s18], $0x80  }
0x6b: {  	[sflag:s18] =	ssyncset.done $0x0  }
0x6c: {  	[sflag:s18] =	ssyncadd.s32 $0xFFFFFF80  }
0x6d: {  	[tilespmem:s23], [sflag:$0x2] =	stream.indirect.gather [hbm4b:s4+s19], $0x80, s21, s19, $0xb8;
	[tilespmem:$0x1C200] =	vst v63  }
0x6e: {  	_ =	swait.ge [sflag:s24], $0x4000  }
0x6f: {  	[sflag:s24] =	ssyncset.done $0x0  }
0x70: {  	[sflag:s24] =	ssyncadd.s32 $0xFFFFC000  }
0x71: {  	[spmem:s1] =	stream.indirect.scatter.add.f32 [tilespmem:s20], [sflag:$0x3], $0x80, s19, s19, $0xb8;
	[tilespmem:$0x1C200] =	vst v63  }
0x72: {  	_ =	swait.ge [sflag:s18], $0x4000  }
0x73: {  	[sflag:s18] =	ssyncset.done $0x0  }
0x74: {  	s30 =	sadd.s32 s28, s14;
	[sflag:s18] =	ssyncadd.s32 $0xFFFFC000  }
0x75: {  	[tilespmem:s3], [sflag:$0x3] =	stream.linear.gather [hbm4b:s30+s3], $0x80, $0x38;
	[tilespmem:$0x1C200] =	vst v63  }
0x76: {  	_ =	swait.ge [sflag:s18], $0x80  }
0x77: {  	[sflag:s18] =	ssyncset.done $0x0  }
0x78: {  	s31 =	sadd.s32 s28, s13;
	[sflag:s18] =	ssyncadd.s32 $0xFFFFFF80  }
0x79: {  	[tilespmem:s19], [sflag:$0x3] =	stream.linear.gather [hbm4b:s31+s3], $0x80, $0x38;
	[tilespmem:$0x1C200] =	vst v63  }
0x7a: {  	_ =	swait.ge [sflag:s18], $0x80  }
0x7b: {  	[sflag:s18] =	ssyncset.done $0x0  }
0x7c: {  	[sflag:s18] =	ssyncadd.s32 $0xFFFFFF80  }
0x7d: {  	[tilespmem:s20], [sflag:$0x1] =	stream.indirect.gather [hbm4b:s4+s19], $0x80, s3, s19, $0xb8;
	[tilespmem:$0x1C200] =	vst v63  }
0x7e: {  	_ =	swait.ge [sflag:s25], $0x4000  }
0x7f: {  	[sflag:s25] =	ssyncset.done $0x0  }
0x80: {  	[sflag:s25] =	ssyncadd.s32 $0xFFFFC000  }
0x81: {  	[spmem:s1] =	stream.indirect.scatter.add.f32 [tilespmem:s23], [sflag:$0x3], $0x80, s22, s19, $0xb8;
	[tilespmem:$0x1C200] =	vst v63  }
0x82: {  	_ =	swait.ge [sflag:s18], $0x4000  }
0x83: {  	[sflag:s18] =	ssyncset.done $0x0  }
0x84: {  	[sflag:s18] =	ssyncadd.s32 $0xFFFFC000  }
0x85: {  	[tilespmem:s21], [sflag:$0x3] =	stream.linear.gather [hbm4b:s11+s3], $0x80, $0x38;
	[tilespmem:$0x1C200] =	vst v63  }
0x86: {  	_ =	swait.ge [sflag:s18], $0x80  }
0x87: {  	[sflag:s18] =	ssyncset.done $0x0  }
0x88: {  	[sflag:s18] =	ssyncadd.s32 $0xFFFFFF80  }
0x89: {  	[tilespmem:s22], [sflag:$0x3] =	stream.linear.gather [hbm4b:s12+s3], $0x80, $0x38;
	[tilespmem:$0x1C200] =	vst v63  }
0x8a: {  	_ =	swait.ge [sflag:s18], $0x80  }
0x8b: {  	[sflag:s18] =	ssyncset.done $0x0  }
0x8c: {  	[sflag:s18] =	ssyncadd.s32 $0xFFFFFF80  }
0x8d: {  	[tilespmem:s23], [sflag:$0x2] =	stream.indirect.gather [hbm4b:s4+s19], $0x80, s21, s19, $0xb8;
	[tilespmem:$0x1C200] =	vst v63  }
0x8e: {  	_ =	swait.ge [sflag:s24], $0x4000  }
0x8f: {  	[sflag:s24] =	ssyncset.done $0x0  }
0x90: {  	[sflag:s24] =	ssyncadd.s32 $0xFFFFC000  }
0x91: {  	[spmem:s1] =	stream.indirect.scatter.add.f32 [tilespmem:s20], [sflag:$0x3], $0x80, s19, s19, $0xb8;
	[tilespmem:$0x1C200] =	vst v63  }
0x92: {  	_ =	swait.ge [sflag:s18], $0x4000  }
0x93: {  	[sflag:s18] =	ssyncset.done $0x0  }
0x94: {  	[sflag:s18] =	ssyncadd.s32 $0xFFFFC000  }
0x95: {  	_ =	swait.ge [sflag:s25], $0x4000  }
0x96: {  	[sflag:s25] =	ssyncset.done $0x0  }
0x97: {  	[sflag:s25] =	ssyncadd.s32 $0xFFFFC000  }
0x98: {  	[spmem:s1] =	stream.indirect.scatter.add.f32 [tilespmem:s23], [sflag:$0x3], $0x80, s22, s19, $0xb8;
	[tilespmem:$0x1C200] =	vst v63  }
0x99: {  	_ =	swait.ge [sflag:s18], $0x4000  }
0x9a: {  	s26 =	sadd.s32 $0x1, s26;
	[sflag:s18] =	ssyncset.done $0x0  }
0x9b: {  	p0 =	sne.s32 s26, s10;
	[sflag:s18] =	ssyncadd.s32 $0xFFFFC000  }
.Ltmp1:
0x9c: {  	[bflag:$0x0] =	sbarrier.arrive $0xFFFF;
	(pc) =	sbr.rel @p0 .LBB2_1-.Ltmp1, $4  }
0x9d: {  	[hbm:s9], [sflag:s6] =	dma.local [spmem:s17], $0x2800  }
0x9e: {  	_ =	swait.ge [sflag:s18], $0x2800  }
0x9f: {  	[sflag:s18] =	ssyncset.done $0x0  }
0xa0: {  	[sflag:s18] =	ssyncadd.s32 $0xFFFFD800  }
0xa1: {  	_ =	sfence.sel $0x180000  }
0xa2: {  	[bflag:$0x0] =	sbarrier.arrive $0xFFFF  }
0xa3: {  	_ =	strace $0x90000050  }
0xa4: {  	[bflag:$0x2] =	sbarrier.arrive $0xFFFF  }
0xa5: {  	p0 =	sne.s32 s2, $0x0;
	s0 =	rddreg [dreg:$0x2]  }
0xa6: {  	s0 =	sadd.s32 @!p0 $0x100000, s0  }
0xa7: {  	[sflag:s0] =	ssyncadd.tile.s32 @!p0 $0x1;
	_ =	shalt  }
.Lfunc_end2:
_tile_overlayer_lowered:
.L_overlay_start_2:
0xa8: {  	(tag) =	ssettag $0x2  }
0xa9: {  	s0 =	rddreg [dreg:$0x0];
	s2 =	stileid.u32  }
0xaa: {  	s1 =	rddreg [dreg:$0x1];
	p0 =	sne.s32 s2, $0x0  }
0xab: {  	s3 =	rddreg [dreg:$0x2];
	[bflag:$0x3] =	sbarrier.arrive $0xFFFF;
	s2 =	simm.s32 @!p0 $0x1C03  }
0xac: {  	[timem:s3], [sflag:s2] =	dma.local @!p0 [hbm:s0], s1  }
0xad: {  	s0 =	simm.s32 @!p0 $0x3  }
0xae: {  	_ =	swait.ge @!p0 [sflag:s0], s1  }
0xaf: {  	s1 =	ssub.s32 @!p0 $0x0, s1;
	[sflag:s0] =	ssyncset.done @!p0 $0x0  }
0xb0: {  	[sflag:s0] =	ssyncadd.s32 @!p0 s1  }
0xb1: {  	[bflag:$0x3] =	sbarrier.arrive $0xFFFF  }
0xb2: {  	_ =	shalt  }

</sc_bundles>
